<compile_context>
chip_gen: v7x
topology: tpu7x:2x2x1
jax: 0.10.2.dev20260603
libtpu: 0.0.44.dev20260713+nightly
codegen_flags: <defaults>
</compile_context>

<pallas_src>
import functools

import jax
import jax.numpy as jnp
from jax import lax
from jax.experimental import pallas as pl
from jax.experimental.pallas import tpu as pltpu
from jax.experimental.pallas import tpu_sc as plsc

N = 10000
E = 320000
HID = 128
H = 4
D = 32
ED = 16
EG = 32

NC = 2
NS = 16
NW = NC * NS
EPW = E // NW
CH = 80
NCHUNK = EPW // CH

NHALF = 5120
NHPAD = NHALF + 64
EPT = E // NS
NCH2 = EPT // CH
BN = 1000
BE = 2000

_F32 = jnp.float32


def _ln_f(x, w, b):
    m = jnp.mean(x, axis=-1, keepdims=True)
    v = jnp.mean((x - m) ** 2, axis=-1, keepdims=True)
    return (x - m) / jnp.sqrt(v + 1e-5) * w + b


def _gelu_f(x):
    return 0.5 * x * (1.0 + lax.erf(x * 0.7071067811865476))


def _expand_mat(groups, width):
    lanes = lax.broadcasted_iota(jnp.int32, (groups, groups * width), 1)
    rows = lax.broadcasted_iota(jnp.int32, (groups, groups * width), 0)
    return (lanes // width == rows).astype(_F32)



def _qkv_body(x_ref, w_ref, b_ref, wq_ref, wk_ref, wv_ref, q_ref, k_ref, v_ref):
    xn = _ln_f(x_ref[...], w_ref[...], b_ref[...])
    q_ref[...] = jnp.dot(xn, wq_ref[...], preferred_element_type=_F32)
    k_ref[...] = jnp.dot(xn, wk_ref[...], preferred_element_type=_F32)
    v_ref[...] = jnp.dot(xn, wv_ref[...], preferred_element_type=_F32)


def _node_qkv(x, ln1_w, ln1_b, WqT, WkT, WvT):
    full = lambda i: (0, 0)
    row = lambda i: (i, 0)
    return pl.pallas_call(
        _qkv_body,
        grid=(N // BN,),
        in_specs=[
            pl.BlockSpec((BN, HID), row),
            pl.BlockSpec((1, HID), full),
            pl.BlockSpec((1, HID), full),
            pl.BlockSpec((HID, HID), full),
            pl.BlockSpec((HID, HID), full),
            pl.BlockSpec((HID, HID), full),
        ],
        out_specs=[pl.BlockSpec((BN, HID), row)] * 3,
        out_shape=[jax.ShapeDtypeStruct((N, HID), _F32)] * 3,
    )(x, ln1_w, ln1_b, WqT, WkT, WvT)



def _gather_body(dst_h, src_h, q_h, k_h, v_h, qi_h, kj_h, vj_h,
                 idxd, idxs, bq, bk, bv, sem):
    c = lax.axis_index("c")
    s = lax.axis_index("s")
    wid = s * NC + c

    def step(i, carry):
        base = wid * EPW + i * CH
        pltpu.sync_copy(dst_h.at[pl.ds(base, CH)], idxd)
        pltpu.sync_copy(src_h.at[pl.ds(base, CH)], idxs)
        cq = pltpu.async_copy(q_h.at[idxd], bq, sem)
        ck = pltpu.async_copy(k_h.at[idxs], bk, sem)
        cv = pltpu.async_copy(v_h.at[idxs], bv, sem)
        cq.wait()
        ck.wait()
        cv.wait()
        pltpu.sync_copy(bq, qi_h.at[pl.ds(base, CH)])
        pltpu.sync_copy(bk, kj_h.at[pl.ds(base, CH)])
        pltpu.sync_copy(bv, vj_h.at[pl.ds(base, CH)])
        return carry

    lax.fori_loop(0, NCHUNK, step, 0)


def _sc_gather(dst, src, Q, K, V):
    mesh = plsc.VectorSubcoreMesh(core_axis_name="c", subcore_axis_name="s")
    f = pl.kernel(
        _gather_body,
        out_type=[jax.ShapeDtypeStruct((E, HID), _F32)] * 3,
        mesh=mesh,
        scratch_types=[
            pltpu.VMEM((CH,), jnp.int32),
            pltpu.VMEM((CH,), jnp.int32),
            pltpu.VMEM((CH, HID), _F32),
            pltpu.VMEM((CH, HID), _F32),
            pltpu.VMEM((CH, HID), _F32),
            pltpu.SemaphoreType.DMA,
        ],
    )
    return f(dst, src, Q, K, V)



def _edge_body(qi_ref, kj_ref, vj_ref, ea_ref,
               eaw1_ref, eab1_ref, eaw2_ref, eab2_ref,
               egw1_ref, egb1_ref, egw2_ref, egb2_ref,
               u_ref, e_ref):
    ea = ea_ref[...]
    h1 = _gelu_f(jnp.dot(ea, eaw1_ref[...], preferred_element_type=_F32) + eab1_ref[...])
    bias = jnp.dot(h1, eaw2_ref[...], preferred_element_type=_F32) + eab2_ref[...]
    g1 = _gelu_f(jnp.dot(ea, egw1_ref[...], preferred_element_type=_F32) + egb1_ref[...])
    gate = jax.nn.sigmoid(jnp.dot(g1, egw2_ref[...], preferred_element_type=_F32) + egb2_ref[...])
    prod = qi_ref[...] * kj_ref[...]
    red = _expand_mat(H, D)
    logits = jnp.dot(prod, red.T, preferred_element_type=_F32) * (D ** -0.5) + bias
    ex = jnp.exp(logits)
    exb = jnp.dot(ex, red, preferred_element_type=_F32)
    u_ref[...] = exb * gate * vj_ref[...]
    e_ref[...] = exb


def _edge_compute(qi, kj, vj, edge_attr,
                  ea_w1T, ea_b1, ea_w2T, ea_b2,
                  eg_w1T, eg_b1, eg_w2T, eg_b2):
    full = lambda i: (0, 0)
    row = lambda i: (i, 0)
    return pl.pallas_call(
        _edge_body,
        grid=(E // BE,),
        in_specs=[
            pl.BlockSpec((BE, HID), row),
            pl.BlockSpec((BE, HID), row),
            pl.BlockSpec((BE, HID), row),
            pl.BlockSpec((BE, ED), row),
            pl.BlockSpec((ED, EG), full),
            pl.BlockSpec((1, EG), full),
            pl.BlockSpec((EG, H), full),
            pl.BlockSpec((1, H), full),
            pl.BlockSpec((ED, EG), full),
            pl.BlockSpec((1, EG), full),
            pl.BlockSpec((EG, H * D), full),
            pl.BlockSpec((1, H * D), full),
        ],
        out_specs=[
            pl.BlockSpec((BE, HID), row),
            pl.BlockSpec((BE, HID), row),
        ],
        out_shape=[
            jax.ShapeDtypeStruct((E, HID), _F32),
            jax.ShapeDtypeStruct((E, HID), _F32),
        ],
    )(qi, kj, vj, edge_attr,
      ea_w1T, ea_b1, ea_w2T, ea_b2, eg_w1T, eg_b1, eg_w2T, eg_b2)



def _scatter_body(dst_h, u_h, e_h, pa_h, pb_h,
                  accA, accB, idx, bu, be, zb):
    c = lax.axis_index("c")
    s = lax.axis_index("s")
    lo = c * NHALF

    def z1(i, carry):
        zb[i // 8, pl.ds((i % 8) * 16, 16)] = jnp.zeros((16,), _F32)
        return carry
    lax.fori_loop(0, 64 * 8, z1, 0)

    nblk = NHPAD // 64

    def zc(r, carry):
        b = r * NS + s
        @pl.when(b < nblk)
        def _():
            pltpu.sync_copy(zb, accA.at[pl.ds(b * 64, 64)])
            pltpu.sync_copy(zb, accB.at[pl.ds(b * 64, 64)])
        return carry
    lax.fori_loop(0, (nblk + NS - 1) // NS, zc, 0)

    plsc.subcore_barrier()

    def step(i, carry):
        base = s * EPT + i * CH
        pltpu.sync_copy(dst_h.at[pl.ds(base, CH)], idx)
        pltpu.sync_copy(u_h.at[pl.ds(base, CH)], bu)
        pltpu.sync_copy(e_h.at[pl.ds(base, CH)], be)

        def remap(k, carry2):
            v = idx[pl.ds(k * 16, 16)] - lo
            ok = (v >= 0) & (v < NHALF)
            idx[pl.ds(k * 16, 16)] = jnp.where(ok, v, NHALF)
            return carry2
        lax.fori_loop(0, CH // 16, remap, 0)

        pltpu.sync_copy(bu, accA.at[idx], add=True)
        pltpu.sync_copy(be, accB.at[idx], add=True)
        return carry
    lax.fori_loop(0, NCH2, step, 0)

    plsc.subcore_barrier()

    def wb(r, carry):
        b = r * NS + s
        @pl.when(b < NHALF // 64)
        def _():
            pltpu.sync_copy(accA.at[pl.ds(b * 64, 64)], zb)
            pltpu.sync_copy(zb, pa_h.at[c, pl.ds(b * 64, 64)])
            pltpu.sync_copy(accB.at[pl.ds(b * 64, 64)], zb)
            pltpu.sync_copy(zb, pb_h.at[c, pl.ds(b * 64, 64)])
        return carry
    lax.fori_loop(0, (NHALF // 64 + NS - 1) // NS, wb, 0)


def _sc_scatter(dst, u128, exb128):
    mesh = plsc.VectorSubcoreMesh(core_axis_name="c", subcore_axis_name="s")
    f = pl.kernel(
        _scatter_body,
        out_type=[
            jax.ShapeDtypeStruct((NC, NHALF, HID), _F32),
            jax.ShapeDtypeStruct((NC, NHALF, HID), _F32),
        ],
        mesh=mesh,
        scratch_types=[
            pltpu.VMEM_SHARED((NHPAD, HID), _F32),
            pltpu.VMEM_SHARED((NHPAD, HID), _F32),
            pltpu.VMEM((CH,), jnp.int32),
            pltpu.VMEM((CH, HID), _F32),
            pltpu.VMEM((CH, HID), _F32),
            pltpu.VMEM((64, HID), _F32),
        ],
    )
    return f(dst, u128, exb128)



def _final_body(pa_ref, pb_ref, x_ref, wo_ref, bo_ref, g_ref, bt_ref,
                l2w_ref, l2b_ref, f1_ref, f1b_ref, f2_ref, f2b_ref, o_ref):
    attn_out = pa_ref[...] / (pb_ref[...] + 1e-10)
    out = jnp.dot(attn_out, wo_ref[...], preferred_element_type=_F32) + bo_ref[...]
    out = g_ref[...] * out + bt_ref[...]
    x1 = x_ref[...] + out
    x2 = _ln_f(x1, l2w_ref[...], l2b_ref[...])
    hh = _gelu_f(jnp.dot(x2, f1_ref[...], preferred_element_type=_F32) + f1b_ref[...])
    ff = jnp.dot(hh, f2_ref[...], preferred_element_type=_F32) + f2b_ref[...]
    o_ref[...] = x1 + ff


def _node_final(pA, pB, x, WoT, bo, gamma, beta, ln2_w, ln2_b,
                ffn_w1T, ffn_b1, ffn_w2T, ffn_b2):
    full = lambda i: (0, 0)
    row = lambda i: (i, 0)
    return pl.pallas_call(
        _final_body,
        grid=(N // BN,),
        in_specs=[
            pl.BlockSpec((BN, HID), row),
            pl.BlockSpec((BN, HID), row),
            pl.BlockSpec((BN, HID), row),
            pl.BlockSpec((HID, HID), full),
            pl.BlockSpec((1, HID), full),
            pl.BlockSpec((1, HID), full),
            pl.BlockSpec((1, HID), full),
            pl.BlockSpec((1, HID), full),
            pl.BlockSpec((1, HID), full),
            pl.BlockSpec((HID, 2 * HID), full),
            pl.BlockSpec((1, 2 * HID), full),
            pl.BlockSpec((2 * HID, HID), full),
            pl.BlockSpec((1, HID), full),
        ],
        out_specs=pl.BlockSpec((BN, HID), row),
        out_shape=jax.ShapeDtypeStruct((N, HID), _F32),
    )(pA, pB, x, WoT, bo, gamma, beta, ln2_w, ln2_b,
      ffn_w1T, ffn_b1, ffn_w2T, ffn_b2)



def kernel(x, edge_index, edge_attr, gamma, beta, Wq, Wk, Wv, Wo, bo,
           ln1_w, ln1_b, ln2_w, ln2_b, ea_w1, ea_b1, ea_w2, ea_b2,
           eg_w1, eg_b1, eg_w2, eg_b2, ffn_w1, ffn_b1, ffn_w2, ffn_b2):
    src = edge_index[0]
    dst = edge_index[1]
    r2 = lambda a: a.reshape(1, -1)

    Q, K, V = _node_qkv(x, r2(ln1_w), r2(ln1_b), Wq.T, Wk.T, Wv.T)
    qi, kj, vj = _sc_gather(dst, src, Q, K, V)
    u128, exb128 = _edge_compute(qi, kj, vj, edge_attr,
                               ea_w1.T, r2(ea_b1), ea_w2.T, r2(ea_b2),
                               eg_w1.T, r2(eg_b1), eg_w2.T, r2(eg_b2))
    pA, pB = _sc_scatter(dst, u128, exb128)
    pA = pA.reshape(NC * NHALF, HID)
    pB = pB.reshape(NC * NHALF, HID)
    return _node_final(pA, pB, x, Wo.T, r2(bo), r2(gamma), r2(beta),
                       r2(ln2_w), r2(ln2_b),
                       ffn_w1.T, r2(ffn_b1), ffn_w2.T, r2(ffn_b2))

# --- scband reference (transcript-rebuilt; emitter-appended) ---
"""Pipeline reference for scband-option-e-48455821033936 (READ-ONLY COPY).

The authoritative reference and input builder live on the scoring server;
editing this copy changes nothing except your own understanding.
"""

import jax, jax.numpy as jnp
import numpy as np

N = 10000
E = 320000
HID = 128
H = 4
D = 32
ED = 16
EG = 32


def _ln(x, w, b):
    m = x.mean(-1, keepdims=True)
    v = ((x - m) ** 2).mean(-1, keepdims=True)
    return (x - m) / jnp.sqrt(v + 1e-5) * w + b


def _gelu(x):
    return jax.nn.gelu(x, approximate=False)


def setup_inputs(seed: int = 0) -> dict:
    key = jax.random.key(seed)
    ks = jax.random.split(key, 24)
    inp = {}
    inp["x"] = jax.random.normal(ks[0], (N, HID), dtype=jnp.float32)
    src = jax.random.randint(ks[1], (E,), 0, N)
    dst = jax.random.randint(ks[2], (E,), 0, N)
    inp["edge_index"] = jnp.stack([src, dst]).astype(jnp.int32)
    inp["edge_attr"] = jax.random.normal(ks[3], (E, ED), dtype=jnp.float32)
    inp["gamma"] = jax.random.uniform(ks[4], (HID,), dtype=jnp.float32)
    inp["beta"] = jnp.zeros((HID,), dtype=jnp.float32)
    s = 1.0 / np.sqrt(HID)
    inp["Wq"] = jax.random.normal(ks[5], (H * D, HID), dtype=jnp.float32) * s
    inp["Wk"] = jax.random.normal(ks[6], (H * D, HID), dtype=jnp.float32) * s
    inp["Wv"] = jax.random.normal(ks[7], (H * D, HID), dtype=jnp.float32) * s
    inp["Wo"] = jax.random.normal(ks[8], (HID, H * D), dtype=jnp.float32) / np.sqrt(H * D)
    inp["bo"] = jnp.zeros((HID,), dtype=jnp.float32)
    inp["ln1_w"] = jnp.ones((HID,), dtype=jnp.float32)
    inp["ln1_b"] = jnp.zeros((HID,), dtype=jnp.float32)
    inp["ln2_w"] = jnp.ones((HID,), dtype=jnp.float32)
    inp["ln2_b"] = jnp.zeros((HID,), dtype=jnp.float32)
    inp["ea_w1"] = jax.random.normal(ks[9], (EG, ED), dtype=jnp.float32) / np.sqrt(ED)
    inp["ea_b1"] = jnp.zeros((EG,), dtype=jnp.float32)
    inp["ea_w2"] = jax.random.normal(ks[10], (H, EG), dtype=jnp.float32) / np.sqrt(EG)
    inp["ea_b2"] = jnp.zeros((H,), dtype=jnp.float32)
    inp["eg_w1"] = jax.random.normal(ks[11], (EG, ED), dtype=jnp.float32) / np.sqrt(ED)
    inp["eg_b1"] = jnp.zeros((EG,), dtype=jnp.float32)
    inp["eg_w2"] = jax.random.normal(ks[12], (H * D, EG), dtype=jnp.float32) / np.sqrt(EG)
    inp["eg_b2"] = jnp.zeros((H * D,), dtype=jnp.float32)
    inp["ffn_w1"] = jax.random.normal(ks[13], (2 * HID, HID), dtype=jnp.float32) / np.sqrt(HID)
    inp["ffn_b1"] = jnp.zeros((2 * HID,), dtype=jnp.float32)
    inp["ffn_w2"] = jax.random.normal(ks[14], (HID, 2 * HID), dtype=jnp.float32) / np.sqrt(2 * HID)
    inp["ffn_b2"] = jnp.zeros((HID,), dtype=jnp.float32)
    return inp


def reference(x, edge_index, edge_attr, gamma, beta, Wq, Wk, Wv, Wo, bo,
              ln1_w, ln1_b, ln2_w, ln2_b, ea_w1, ea_b1, ea_w2, ea_b2,
              eg_w1, eg_b1, eg_w2, eg_b2, ffn_w1, ffn_b1, ffn_w2, ffn_b2):
    src = edge_index[0]
    dst = edge_index[1]
    n = x.shape[0]
    x_n = _ln(x, ln1_w, ln1_b)
    Q = (x_n @ Wq.T).reshape(n, H, D)
    K = (x_n @ Wk.T).reshape(n, H, D)
    V = (x_n @ Wv.T).reshape(n, H, D)
    q_i = jnp.take(Q, dst, axis=0)
    k_j = jnp.take(K, src, axis=0)
    attn_logits = (q_i * k_j).sum(-1) * (D ** -0.5)
    edge_bias = _gelu(edge_attr @ ea_w1.T + ea_b1) @ ea_w2.T + ea_b2
    attn_logits = attn_logits + edge_bias
    # sparse softmax over dst neighbourhoods; torch scatter_reduce amax with
    # include_self=True on zero-init buffer -> max(segment_max, 0)
    mx = jnp.maximum(jax.ops.segment_max(attn_logits, dst, num_segments=n), 0.0)
    shifted = attn_logits - jnp.take(mx, dst, axis=0)
    ex = jnp.exp(shifted)
    se = jax.ops.segment_sum(ex, dst, num_segments=n)
    attn = ex / (jnp.take(se, dst, axis=0) + 1e-10)
    v_j = jnp.take(V, src, axis=0)
    e_gate = jax.nn.sigmoid(_gelu(edge_attr @ eg_w1.T + eg_b1) @ eg_w2.T + eg_b2).reshape(-1, H, D)
    weighted = attn[..., None] * (e_gate * v_j)
    out = jax.ops.segment_sum(weighted, dst, num_segments=n).reshape(n, H * D)
    out = out @ Wo.T + bo
    out = gamma * out + beta
    x = x + out
    x2 = _ln(x, ln2_w, ln2_b)
    ff = _gelu(x2 @ ffn_w1.T + ffn_b1) @ ffn_w2.T + ffn_b2
    return x + ff

if __name__ == "__main__":
    import jax
    _d = setup_inputs()
    print(jax.jit(kernel)(*tuple(_d.values())))

</pallas_src>

<mosaic_0001>
#map = affine_map<(d0, d1) -> (0)>
#map1 = affine_map<(d0, d1) -> (0, 0)>
module attributes {stable_mosaic.version = 14 : i64} {
  func.func @_gather_body(%arg0: i32, %arg1: i32, %arg2: memref<320000xi32, #tpu.memory_space<hbm>>, %arg3: memref<320000xi32, #tpu.memory_space<hbm>>, %arg4: memref<10000x128xf32, #tpu.memory_space<hbm>>, %arg5: memref<10000x128xf32, #tpu.memory_space<hbm>>, %arg6: memref<10000x128xf32, #tpu.memory_space<hbm>>, %arg7: memref<320000x128xf32, #tpu.memory_space<hbm>>, %arg8: memref<320000x128xf32, #tpu.memory_space<hbm>>, %arg9: memref<320000x128xf32, #tpu.memory_space<hbm>>, %arg10: memref<80xi32, #tpu.memory_space<vmem>>, %arg11: memref<80xi32, #tpu.memory_space<vmem>>, %arg12: memref<80x128xf32, #tpu.memory_space<vmem>>, %arg13: memref<80x128xf32, #tpu.memory_space<vmem>>, %arg14: memref<80x128xf32, #tpu.memory_space<vmem>>, %arg15: memref<!tpu.dma_semaphore, #tpu.memory_space<semaphore_mem>>) attributes {dimension_semantics = [#tpu.dimension_semantics<core_parallel>, #tpu.dimension_semantics<subcore_parallel>], iteration_bounds = array<i64: 2, 16>, scalar_prefetch = 0 : i64, scratch_operands = 6 : i64, tpu.core_type = #tpu.core_type<sc_vector_subcore>, window_params = [{transform_indices = #map}, {transform_indices = #map}, {transform_indices = #map1}, {transform_indices = #map1}, {transform_indices = #map1}, {transform_indices = #map1}, {transform_indices = #map1}, {transform_indices = #map1}]} {
    %mul3A = arith.constant 2 : i32
    %mul3A_0 = arith.muli %arg1, %mul3A : i32
    %add3A = arith.addi %mul3A_0, %arg0 : i32
    %scan3A = arith.constant 0 : i32
    %scan3A_1 = arith.constant 0 : i32
    %scan3A_2 = arith.constant 125 : i32
    %scan3A_3 = arith.addi %scan3A_1, %scan3A_2 : i32
    %scan3A_4 = arith.constant 1 : i32
    scf.for %scan3A_6 = %scan3A_1 to %scan3A_3 step %scan3A_4  : i32 {
      %mul3A_7 = arith.constant 10000 : i32
      %mul3A_8 = arith.muli %add3A, %mul3A_7 : i32
      %mul3A_9 = arith.constant 80 : i32
      %mul3A_10 = arith.muli %scan3A_6, %mul3A_9 : i32
      %add3A_11 = arith.addi %mul3A_8, %mul3A_10 : i32
      "tpu.region"() ({
        %run_scoped3A = tpu.sem_alloc : memref<!tpu.dma_semaphore, #tpu.memory_space<semaphore_mem>>
        %dma_start3A_28 = tpu.memref_slice %arg2[%add3A_11] : memref<320000xi32, #tpu.memory_space<hbm>> -> memref<80xi32, #tpu.memory_space<hbm>>
        %dma_start3A_29 = tpu.memref_slice %arg2[%add3A_11] : memref<320000xi32, #tpu.memory_space<hbm>> -> memref<80xi32, #tpu.memory_space<hbm>>
        tpu.enqueue_dma source(%dma_start3A_29 : memref<80xi32, #tpu.memory_space<hbm>>) target(%arg10 : memref<80xi32, #tpu.memory_space<vmem>>) target_semaphore(%run_scoped3A : memref<!tpu.dma_semaphore, #tpu.memory_space<semaphore_mem>>)
        %dma_wait3A_30 = tpu.memref_slice %arg2[%add3A_11] : memref<320000xi32, #tpu.memory_space<hbm>> -> memref<80xi32, #tpu.memory_space<hbm>>
        %dma_wait3A_31 = tpu.memref_slice %arg2[%add3A_11] : memref<320000xi32, #tpu.memory_space<hbm>> -> memref<80xi32, #tpu.memory_space<hbm>>
        tpu.wait_dma2 semaphore(%run_scoped3A : memref<!tpu.dma_semaphore, #tpu.memory_space<semaphore_mem>>) src(%dma_wait3A_31 : memref<80xi32, #tpu.memory_space<hbm>>) dst(%arg10 : memref<80xi32, #tpu.memory_space<vmem>>)
        tpu.yield
      }) : () -> ()
      "tpu.region"() ({
        %run_scoped3A = tpu.sem_alloc : memref<!tpu.dma_semaphore, #tpu.memory_space<semaphore_mem>>
        %dma_start3A_28 = tpu.memref_slice %arg3[%add3A_11] : memref<320000xi32, #tpu.memory_space<hbm>> -> memref<80xi32, #tpu.memory_space<hbm>>
        %dma_start3A_29 = tpu.memref_slice %arg3[%add3A_11] : memref<320000xi32, #tpu.memory_space<hbm>> -> memref<80xi32, #tpu.memory_space<hbm>>
        tpu.enqueue_dma source(%dma_start3A_29 : memref<80xi32, #tpu.memory_space<hbm>>) target(%arg11 : memref<80xi32, #tpu.memory_space<vmem>>) target_semaphore(%run_scoped3A : memref<!tpu.dma_semaphore, #tpu.memory_space<semaphore_mem>>)
        %dma_wait3A_30 = tpu.memref_slice %arg3[%add3A_11] : memref<320000xi32, #tpu.memory_space<hbm>> -> memref<80xi32, #tpu.memory_space<hbm>>
        %dma_wait3A_31 = tpu.memref_slice %arg3[%add3A_11] : memref<320000xi32, #tpu.memory_space<hbm>> -> memref<80xi32, #tpu.memory_space<hbm>>
        tpu.wait_dma2 semaphore(%run_scoped3A : memref<!tpu.dma_semaphore, #tpu.memory_space<semaphore_mem>>) src(%dma_wait3A_31 : memref<80xi32, #tpu.memory_space<hbm>>) dst(%arg11 : memref<80xi32, #tpu.memory_space<vmem>>)
        tpu.yield
      }) : () -> ()
      %dma_start3A = arith.constant 0 : i32
      %dma_start3A_12 = arith.constant 0 : i32
      %dma_start3A_13 = tpu.memref_slice %arg4[%dma_start3A, %dma_start3A_12] : memref<10000x128xf32, #tpu.memory_space<hbm>> -> memref<10000x128xf32, #tpu.memory_space<hbm>>
      tpu.enqueue_indirect_dma source(%dma_start3A_13 : memref<10000x128xf32, #tpu.memory_space<hbm>>) target(%arg12 : memref<80x128xf32, #tpu.memory_space<vmem>>) offsets(%arg10 : memref<80xi32, #tpu.memory_space<vmem>>) semaphore(%arg15 : memref<!tpu.dma_semaphore, #tpu.memory_space<semaphore_mem>>)
      %dma_start3A_14 = arith.constant 0 : i32
      %dma_start3A_15 = arith.constant 0 : i32
      %dma_start3A_16 = tpu.memref_slice %arg5[%dma_start3A_14, %dma_start3A_15] : memref<10000x128xf32, #tpu.memory_space<hbm>> -> memref<10000x128xf32, #tpu.memory_space<hbm>>
      tpu.enqueue_indirect_dma source(%dma_start3A_16 : memref<10000x128xf32, #tpu.memory_space<hbm>>) target(%arg13 : memref<80x128xf32, #tpu.memory_space<vmem>>) offsets(%arg11 : memref<80xi32, #tpu.memory_space<vmem>>) semaphore(%arg15 : memref<!tpu.dma_semaphore, #tpu.memory_space<semaphore_mem>>)
      %dma_start3A_17 = arith.constant 0 : i32
      %dma_start3A_18 = arith.constant 0 : i32
      %dma_start3A_19 = tpu.memref_slice %arg6[%dma_start3A_17, %dma_start3A_18] : memref<10000x128xf32, #tpu.memory_space<hbm>> -> memref<10000x128xf32, #tpu.memory_space<hbm>>
      tpu.enqueue_indirect_dma source(%dma_start3A_19 : memref<10000x128xf32, #tpu.memory_space<hbm>>) target(%arg14 : memref<80x128xf32, #tpu.memory_space<vmem>>) offsets(%arg11 : memref<80xi32, #tpu.memory_space<vmem>>) semaphore(%arg15 : memref<!tpu.dma_semaphore, #tpu.memory_space<semaphore_mem>>)
      %dma_wait3A = arith.constant 0 : i32
      %dma_wait3A_20 = arith.constant 0 : i32
      %dma_wait3A_21 = tpu.memref_slice %arg4[%dma_wait3A, %dma_wait3A_20] : memref<10000x128xf32, #tpu.memory_space<hbm>> -> memref<10000x128xf32, #tpu.memory_space<hbm>>
      tpu.wait_indirect_dma semaphore(%arg15 : memref<!tpu.dma_semaphore, #tpu.memory_space<semaphore_mem>>) src(%dma_wait3A_21 : memref<10000x128xf32, #tpu.memory_space<hbm>>) dst(%arg12 : memref<80x128xf32, #tpu.memory_space<vmem>>)
      %dma_wait3A_22 = arith.constant 0 : i32
      %dma_wait3A_23 = arith.constant 0 : i32
      %dma_wait3A_24 = tpu.memref_slice %arg5[%dma_wait3A_22, %dma_wait3A_23] : memref<10000x128xf32, #tpu.memory_space<hbm>> -> memref<10000x128xf32, #tpu.memory_space<hbm>>
      tpu.wait_indirect_dma semaphore(%arg15 : memref<!tpu.dma_semaphore, #tpu.memory_space<semaphore_mem>>) src(%dma_wait3A_24 : memref<10000x128xf32, #tpu.memory_space<hbm>>) dst(%arg13 : memref<80x128xf32, #tpu.memory_space<vmem>>)
      %dma_wait3A_25 = arith.constant 0 : i32
      %dma_wait3A_26 = arith.constant 0 : i32
      %dma_wait3A_27 = tpu.memref_slice %arg6[%dma_wait3A_25, %dma_wait3A_26] : memref<10000x128xf32, #tpu.memory_space<hbm>> -> memref<10000x128xf32, #tpu.memory_space<hbm>>
      tpu.wait_indirect_dma semaphore(%arg15 : memref<!tpu.dma_semaphore, #tpu.memory_space<semaphore_mem>>) src(%dma_wait3A_27 : memref<10000x128xf32, #tpu.memory_space<hbm>>) dst(%arg14 : memref<80x128xf32, #tpu.memory_space<vmem>>)
      "tpu.region"() ({
        %run_scoped3A = tpu.sem_alloc : memref<!tpu.dma_semaphore, #tpu.memory_space<semaphore_mem>>
        %dma_start3A_28 = arith.constant 0 : i32
        %dma_start3A_29 = tpu.memref_slice %arg7[%add3A_11, %dma_start3A_28] : memref<320000x128xf32, #tpu.memory_space<hbm>> -> memref<80x128xf32, #tpu.memory_space<hbm>>
        %dma_start3A_30 = arith.constant 0 : i32
        %dma_start3A_31 = tpu.memref_slice %arg7[%add3A_11, %dma_start3A_30] : memref<320000x128xf32, #tpu.memory_space<hbm>> -> memref<80x128xf32, #tpu.memory_space<hbm>>
        tpu.enqueue_dma source(%arg12 : memref<80x128xf32, #tpu.memory_space<vmem>>) target(%dma_start3A_31 : memref<80x128xf32, #tpu.memory_space<hbm>>) target_semaphore(%run_scoped3A : memref<!tpu.dma_semaphore, #tpu.memory_space<semaphore_mem>>)
        %dma_wait3A_32 = arith.constant 0 : i32
        %dma_wait3A_33 = tpu.memref_slice %arg7[%add3A_11, %dma_wait3A_32] : memref<320000x128xf32, #tpu.memory_space<hbm>> -> memref<80x128xf32, #tpu.memory_space<hbm>>
        %dma_wait3A_34 = arith.constant 0 : i32
        %dma_wait3A_35 = tpu.memref_slice %arg7[%add3A_11, %dma_wait3A_34] : memref<320000x128xf32, #tpu.memory_space<hbm>> -> memref<80x128xf32, #tpu.memory_space<hbm>>
        tpu.wait_dma2 semaphore(%run_scoped3A : memref<!tpu.dma_semaphore, #tpu.memory_space<semaphore_mem>>) src(%arg12 : memref<80x128xf32, #tpu.memory_space<vmem>>) dst(%dma_wait3A_35 : memref<80x128xf32, #tpu.memory_space<hbm>>)
        tpu.yield
      }) : () -> ()
      "tpu.region"() ({
        %run_scoped3A = tpu.sem_alloc : memref<!tpu.dma_semaphore, #tpu.memory_space<semaphore_mem>>
        %dma_start3A_28 = arith.constant 0 : i32
        %dma_start3A_29 = tpu.memref_slice %arg8[%add3A_11, %dma_start3A_28] : memref<320000x128xf32, #tpu.memory_space<hbm>> -> memref<80x128xf32, #tpu.memory_space<hbm>>
        %dma_start3A_30 = arith.constant 0 : i32
        %dma_start3A_31 = tpu.memref_slice %arg8[%add3A_11, %dma_start3A_30] : memref<320000x128xf32, #tpu.memory_space<hbm>> -> memref<80x128xf32, #tpu.memory_space<hbm>>
        tpu.enqueue_dma source(%arg13 : memref<80x128xf32, #tpu.memory_space<vmem>>) target(%dma_start3A_31 : memref<80x128xf32, #tpu.memory_space<hbm>>) target_semaphore(%run_scoped3A : memref<!tpu.dma_semaphore, #tpu.memory_space<semaphore_mem>>)
        %dma_wait3A_32 = arith.constant 0 : i32
        %dma_wait3A_33 = tpu.memref_slice %arg8[%add3A_11, %dma_wait3A_32] : memref<320000x128xf32, #tpu.memory_space<hbm>> -> memref<80x128xf32, #tpu.memory_space<hbm>>
        %dma_wait3A_34 = arith.constant 0 : i32
        %dma_wait3A_35 = tpu.memref_slice %arg8[%add3A_11, %dma_wait3A_34] : memref<320000x128xf32, #tpu.memory_space<hbm>> -> memref<80x128xf32, #tpu.memory_space<hbm>>
        tpu.wait_dma2 semaphore(%run_scoped3A : memref<!tpu.dma_semaphore, #tpu.memory_space<semaphore_mem>>) src(%arg13 : memref<80x128xf32, #tpu.memory_space<vmem>>) dst(%dma_wait3A_35 : memref<80x128xf32, #tpu.memory_space<hbm>>)
        tpu.yield
      }) : () -> ()
      "tpu.region"() ({
        %run_scoped3A = tpu.sem_alloc : memref<!tpu.dma_semaphore, #tpu.memory_space<semaphore_mem>>
        %dma_start3A_28 = arith.constant 0 : i32
        %dma_start3A_29 = tpu.memref_slice %arg9[%add3A_11, %dma_start3A_28] : memref<320000x128xf32, #tpu.memory_space<hbm>> -> memref<80x128xf32, #tpu.memory_space<hbm>>
        %dma_start3A_30 = arith.constant 0 : i32
        %dma_start3A_31 = tpu.memref_slice %arg9[%add3A_11, %dma_start3A_30] : memref<320000x128xf32, #tpu.memory_space<hbm>> -> memref<80x128xf32, #tpu.memory_space<hbm>>
        tpu.enqueue_dma source(%arg14 : memref<80x128xf32, #tpu.memory_space<vmem>>) target(%dma_start3A_31 : memref<80x128xf32, #tpu.memory_space<hbm>>) target_semaphore(%run_scoped3A : memref<!tpu.dma_semaphore, #tpu.memory_space<semaphore_mem>>)
        %dma_wait3A_32 = arith.constant 0 : i32
        %dma_wait3A_33 = tpu.memref_slice %arg9[%add3A_11, %dma_wait3A_32] : memref<320000x128xf32, #tpu.memory_space<hbm>> -> memref<80x128xf32, #tpu.memory_space<hbm>>
        %dma_wait3A_34 = arith.constant 0 : i32
        %dma_wait3A_35 = tpu.memref_slice %arg9[%add3A_11, %dma_wait3A_34] : memref<320000x128xf32, #tpu.memory_space<hbm>> -> memref<80x128xf32, #tpu.memory_space<hbm>>
        tpu.wait_dma2 semaphore(%run_scoped3A : memref<!tpu.dma_semaphore, #tpu.memory_space<semaphore_mem>>) src(%arg14 : memref<80x128xf32, #tpu.memory_space<vmem>>) dst(%dma_wait3A_35 : memref<80x128xf32, #tpu.memory_space<hbm>>)
        tpu.yield
      }) : () -> ()
    }
    %scan3A_5 = arith.constant 125 : i32
    return
  }
}

#map = affine_map<(d0, d1) -> (0)>
#map1 = affine_map<(d0, d1) -> (0, 0)>
#map2 = affine_map<(d0, d1) -> (0, 0, 0)>
module attributes {stable_mosaic.version = 14 : i64} {
  func.func @_scatter_body(%arg0: i32, %arg1: i32, %arg2: memref<320000xi32, #tpu.memory_space<hbm>>, %arg3: memref<320000x128xf32, #tpu.memory_space<hbm>>, %arg4: memref<320000x128xf32, #tpu.memory_space<hbm>>, %arg5: memref<2x5120x128xf32, #tpu.memory_space<hbm>>, %arg6: memref<2x5120x128xf32, #tpu.memory_space<hbm>>, %arg7: memref<5184x128xf32, #tpu.memory_space<vmem_shared>>, %arg8: memref<5184x128xf32, #tpu.memory_space<vmem_shared>>, %arg9: memref<80xi32, #tpu.memory_space<vmem>>, %arg10: memref<80x128xf32, #tpu.memory_space<vmem>>, %arg11: memref<80x128xf32, #tpu.memory_space<vmem>>, %arg12: memref<64x128xf32, #tpu.memory_space<vmem>>) attributes {dimension_semantics = [#tpu.dimension_semantics<core_parallel>, #tpu.dimension_semantics<subcore_parallel>], iteration_bounds = array<i64: 2, 16>, scalar_prefetch = 0 : i64, scratch_operands = 6 : i64, tpu.core_type = #tpu.core_type<sc_vector_subcore>, window_params = [{transform_indices = #map}, {transform_indices = #map1}, {transform_indices = #map1}, {transform_indices = #map2}, {transform_indices = #map2}]} {
    %mul3A = arith.constant 5120 : i32
    %mul3A_0 = arith.muli %arg0, %mul3A : i32
    %scan3A = arith.constant 0 : i32
    %scan3A_1 = arith.constant 0 : i32
    %scan3A_2 = arith.constant 512 : i32
    %scan3A_3 = arith.addi %scan3A_1, %scan3A_2 : i32
    %scan3A_4 = arith.constant 1 : i32
    scf.for %scan3A_25 = %scan3A_1 to %scan3A_3 step %scan3A_4  : i32 {
      %broadcast_in_dim3A = arith.constant 0.000000e+00 : f32
      %broadcast_in_dim3A_26 = vector.broadcast %broadcast_in_dim3A : f32 to vector<16xf32>
      %jit3A = arith.constant 8 : i32
      %div3A = arith.divsi %scan3A_25, %jit3A : i32
      %sign3A = arith.constant 0 : i32
      %sign3A_27 = arith.cmpi sgt, %scan3A_25, %sign3A : i32
      %sign3A_28 = arith.extui %sign3A_27 : i1 to i32
      %sign3A_29 = arith.constant 0 : i32
      %sign3A_30 = arith.cmpi slt, %scan3A_25, %sign3A_29 : i32
      %sign3A_31 = arith.extui %sign3A_30 : i1 to i32
      %sign3A_32 = arith.subi %sign3A_28, %sign3A_31 : i32
      %sign3A_33 = arith.constant 0 : i32
      %sign3A_34 = arith.cmpi sgt, %jit3A, %sign3A_33 : i32
      %sign3A_35 = arith.extui %sign3A_34 : i1 to i32
      %sign3A_36 = arith.constant 0 : i32
      %sign3A_37 = arith.cmpi slt, %jit3A, %sign3A_36 : i32
      %sign3A_38 = arith.extui %sign3A_37 : i1 to i32
      %sign3A_39 = arith.subi %sign3A_35, %sign3A_38 : i32
      %ne3A = arith.cmpi ne, %sign3A_32, %sign3A_39 : i32
      %rem3A = arith.remsi %scan3A_25, %jit3A : i32
      %ne3A_40 = arith.constant 0 : i32
      %ne3A_41 = arith.cmpi ne, %rem3A, %ne3A_40 : i32
      %and3A = arith.andi %ne3A, %ne3A_41 : i1
      %sub3A = arith.constant 1 : i32
      %sub3A_42 = arith.subi %div3A, %sub3A : i32
      %select_n3A = arith.select %and3A, %sub3A_42, %div3A : i32
      %jit3A_43 = arith.constant 8 : i32
      %eq3A = arith.constant 0 : i32
      %eq3A_44 = arith.cmpi eq, %jit3A_43, %eq3A : i32
      %jit3A_45 = arith.constant 1 : i32
      %select_n3A_46 = arith.select %eq3A_44, %jit3A_45, %jit3A_43 : i32
      %rem3A_47 = arith.remsi %scan3A_25, %select_n3A_46 : i32
      %ne3A_48 = arith.constant 0 : i32
      %ne3A_49 = arith.cmpi ne, %rem3A_47, %ne3A_48 : i32
      %lt3A = arith.constant 0 : i32
      %lt3A_50 = arith.cmpi slt, %rem3A_47, %lt3A : i32
      %lt3A_51 = arith.constant 0 : i32
      %lt3A_52 = arith.cmpi slt, %select_n3A_46, %lt3A_51 : i32
      %ne3A_53 = arith.xori %lt3A_50, %lt3A_52 : i1
      %and3A_54 = arith.andi %ne3A_53, %ne3A_49 : i1
      %add3A = arith.addi %rem3A_47, %select_n3A_46 : i32
      %select_n3A_55 = arith.select %and3A_54, %add3A, %rem3A_47 : i32
      %mul3A_56 = arith.constant 16 : i32
      %mul3A_57 = arith.muli %select_n3A_55, %mul3A_56 : i32
      %swap3A = arith.index_cast %select_n3A : i32 to index
      %swap3A_58 = arith.index_cast %mul3A_57 : i32 to index
      %swap3A_59 = tpu.vector_load %arg12[%swap3A, %swap3A_58] {strides = array<i32>} : memref<64x128xf32, #tpu.memory_space<vmem>>, vector<1x16xf32>,
      %swap3A_60 = vector.shape_cast %swap3A_59 : vector<1x16xf32> to vector<16xf32>
      %swap3A_61 = vector.shape_cast %broadcast_in_dim3A_26 : vector<16xf32> to vector<1x16xf32>
      tpu.vector_store %arg12[%swap3A, %swap3A_58], %swap3A_61 {strides = array<i32>} : memref<64x128xf32, #tpu.memory_space<vmem>>, vector<1x16xf32>,
    }
    %scan3A_5 = arith.constant 512 : i32
    %scan3A_6 = arith.constant 0 : i32
    %scan3A_7 = arith.constant 0 : i32
    %scan3A_8 = arith.constant 6 : i32
    %scan3A_9 = arith.addi %scan3A_7, %scan3A_8 : i32
    %scan3A_10 = arith.constant 1 : i32
    scf.for %scan3A_25 = %scan3A_7 to %scan3A_9 step %scan3A_10  : i32 {
      %mul3A_26 = arith.constant 16 : i32
      %mul3A_27 = arith.muli %scan3A_25, %mul3A_26 : i32
      %add3A = arith.addi %mul3A_27, %arg1 : i32
      %lt3A = arith.constant 81 : i32
      %lt3A_28 = arith.cmpi slt, %add3A, %lt3A : i32
      %convert_element_type3A = arith.extui %lt3A_28 : i1 to i32
      %cond3A = arith.constant 0 : i32
      %cond3A_29 = arith.cmpi ne, %convert_element_type3A, %cond3A : i32
      scf.if %cond3A_29 {
        %mul3A_30 = arith.constant 64 : i32
        %mul3A_31 = arith.muli %add3A, %mul3A_30 : i32
        "tpu.region"() ({
          %run_scoped3A = tpu.sem_alloc : memref<!tpu.dma_semaphore, #tpu.memory_space<semaphore_mem>>
          %dma_start3A = arith.constant 0 : i32
          %dma_start3A_34 = tpu.memref_slice %arg7[%mul3A_31, %dma_start3A] : memref<5184x128xf32, #tpu.memory_space<vmem_shared>> -> memref<64x128xf32, #tpu.memory_space<vmem_shared>>
          %dma_start3A_35 = arith.constant 0 : i32
          %dma_start3A_36 = tpu.memref_slice %arg7[%mul3A_31, %dma_start3A_35] : memref<5184x128xf32, #tpu.memory_space<vmem_shared>> -> memref<64x128xf32, #tpu.memory_space<vmem_shared>>
          tpu.enqueue_dma source(%arg12 : memref<64x128xf32, #tpu.memory_space<vmem>>) target(%dma_start3A_36 : memref<64x128xf32, #tpu.memory_space<vmem_shared>>) target_semaphore(%run_scoped3A : memref<!tpu.dma_semaphore, #tpu.memory_space<semaphore_mem>>)
          %dma_wait3A = arith.constant 0 : i32
          %dma_wait3A_37 = tpu.memref_slice %arg7[%mul3A_31, %dma_wait3A] : memref<5184x128xf32, #tpu.memory_space<vmem_shared>> -> memref<64x128xf32, #tpu.memory_space<vmem_shared>>
          %dma_wait3A_38 = arith.constant 0 : i32
          %dma_wait3A_39 = tpu.memref_slice %arg7[%mul3A_31, %dma_wait3A_38] : memref<5184x128xf32, #tpu.memory_space<vmem_shared>> -> memref<64x128xf32, #tpu.memory_space<vmem_shared>>
          tpu.wait_dma2 semaphore(%run_scoped3A : memref<!tpu.dma_semaphore, #tpu.memory_space<semaphore_mem>>) src(%arg12 : memref<64x128xf32, #tpu.memory_space<vmem>>) dst(%dma_wait3A_39 : memref<64x128xf32, #tpu.memory_space<vmem_shared>>)
          tpu.yield
        }) : () -> ()
        %mul3A_32 = arith.constant 64 : i32
        %mul3A_33 = arith.muli %add3A, %mul3A_32 : i32
        "tpu.region"() ({
          %run_scoped3A = tpu.sem_alloc : memref<!tpu.dma_semaphore, #tpu.memory_space<semaphore_mem>>
          %dma_start3A = arith.constant 0 : i32
          %dma_start3A_34 = tpu.memref_slice %arg8[%mul3A_33, %dma_start3A] : memref<5184x128xf32, #tpu.memory_space<vmem_shared>> -> memref<64x128xf32, #tpu.memory_space<vmem_shared>>
          %dma_start3A_35 = arith.constant 0 : i32
          %dma_start3A_36 = tpu.memref_slice %arg8[%mul3A_33, %dma_start3A_35] : memref<5184x128xf32, #tpu.memory_space<vmem_shared>> -> memref<64x128xf32, #tpu.memory_space<vmem_shared>>
          tpu.enqueue_dma source(%arg12 : memref<64x128xf32, #tpu.memory_space<vmem>>) target(%dma_start3A_36 : memref<64x128xf32, #tpu.memory_space<vmem_shared>>) target_semaphore(%run_scoped3A : memref<!tpu.dma_semaphore, #tpu.memory_space<semaphore_mem>>)
          %dma_wait3A = arith.constant 0 : i32
          %dma_wait3A_37 = tpu.memref_slice %arg8[%mul3A_33, %dma_wait3A] : memref<5184x128xf32, #tpu.memory_space<vmem_shared>> -> memref<64x128xf32, #tpu.memory_space<vmem_shared>>
          %dma_wait3A_38 = arith.constant 0 : i32
          %dma_wait3A_39 = tpu.memref_slice %arg8[%mul3A_33, %dma_wait3A_38] : memref<5184x128xf32, #tpu.memory_space<vmem_shared>> -> memref<64x128xf32, #tpu.memory_space<vmem_shared>>
          tpu.wait_dma2 semaphore(%run_scoped3A : memref<!tpu.dma_semaphore, #tpu.memory_space<semaphore_mem>>) src(%arg12 : memref<64x128xf32, #tpu.memory_space<vmem>>) dst(%dma_wait3A_39 : memref<64x128xf32, #tpu.memory_space<vmem_shared>>)
          tpu.yield
        }) : () -> ()
      } else {
      }
    }
    %scan3A_11 = arith.constant 6 : i32
    %barrier3A = arith.constant 0 : index
    tpu.barrier barrier_id(%barrier3A)
    %scan3A_12 = arith.constant 0 : i32
    %scan3A_13 = arith.constant 0 : i32
    %scan3A_14 = arith.constant 250 : i32
    %scan3A_15 = arith.addi %scan3A_13, %scan3A_14 : i32
    %scan3A_16 = arith.constant 1 : i32
    scf.for %scan3A_25 = %scan3A_13 to %scan3A_15 step %scan3A_16  : i32 {
      %mul3A_26 = arith.constant 20000 : i32
      %mul3A_27 = arith.muli %arg1, %mul3A_26 : i32
      %mul3A_28 = arith.constant 80 : i32
      %mul3A_29 = arith.muli %scan3A_25, %mul3A_28 : i32
      %add3A = arith.addi %mul3A_27, %mul3A_29 : i32
      "tpu.region"() ({
        %run_scoped3A = tpu.sem_alloc : memref<!tpu.dma_semaphore, #tpu.memory_space<semaphore_mem>>
        %dma_start3A = tpu.memref_slice %arg2[%add3A] : memref<320000xi32, #tpu.memory_space<hbm>> -> memref<80xi32, #tpu.memory_space<hbm>>
        %dma_start3A_36 = tpu.memref_slice %arg2[%add3A] : memref<320000xi32, #tpu.memory_space<hbm>> -> memref<80xi32, #tpu.memory_space<hbm>>
        tpu.enqueue_dma source(%dma_start3A_36 : memref<80xi32, #tpu.memory_space<hbm>>) target(%arg9 : memref<80xi32, #tpu.memory_space<vmem>>) target_semaphore(%run_scoped3A : memref<!tpu.dma_semaphore, #tpu.memory_space<semaphore_mem>>)
        %dma_wait3A = tpu.memref_slice %arg2[%add3A] : memref<320000xi32, #tpu.memory_space<hbm>> -> memref<80xi32, #tpu.memory_space<hbm>>
        %dma_wait3A_37 = tpu.memref_slice %arg2[%add3A] : memref<320000xi32, #tpu.memory_space<hbm>> -> memref<80xi32, #tpu.memory_space<hbm>>
        tpu.wait_dma2 semaphore(%run_scoped3A : memref<!tpu.dma_semaphore, #tpu.memory_space<semaphore_mem>>) src(%dma_wait3A_37 : memref<80xi32, #tpu.memory_space<hbm>>) dst(%arg9 : memref<80xi32, #tpu.memory_space<vmem>>)
        tpu.yield
      }) : () -> ()
      "tpu.region"() ({
        %run_scoped3A = tpu.sem_alloc : memref<!tpu.dma_semaphore, #tpu.memory_space<semaphore_mem>>
        %dma_start3A = arith.constant 0 : i32
        %dma_start3A_36 = tpu.memref_slice %arg3[%add3A, %dma_start3A] : memref<320000x128xf32, #tpu.memory_space<hbm>> -> memref<80x128xf32, #tpu.memory_space<hbm>>
        %dma_start3A_37 = arith.constant 0 : i32
        %dma_start3A_38 = tpu.memref_slice %arg3[%add3A, %dma_start3A_37] : memref<320000x128xf32, #tpu.memory_space<hbm>> -> memref<80x128xf32, #tpu.memory_space<hbm>>
        tpu.enqueue_dma source(%dma_start3A_38 : memref<80x128xf32, #tpu.memory_space<hbm>>) target(%arg10 : memref<80x128xf32, #tpu.memory_space<vmem>>) target_semaphore(%run_scoped3A : memref<!tpu.dma_semaphore, #tpu.memory_space<semaphore_mem>>)
        %dma_wait3A = arith.constant 0 : i32
        %dma_wait3A_39 = tpu.memref_slice %arg3[%add3A, %dma_wait3A] : memref<320000x128xf32, #tpu.memory_space<hbm>> -> memref<80x128xf32, #tpu.memory_space<hbm>>
        %dma_wait3A_40 = arith.constant 0 : i32
        %dma_wait3A_41 = tpu.memref_slice %arg3[%add3A, %dma_wait3A_40] : memref<320000x128xf32, #tpu.memory_space<hbm>> -> memref<80x128xf32, #tpu.memory_space<hbm>>
        tpu.wait_dma2 semaphore(%run_scoped3A : memref<!tpu.dma_semaphore, #tpu.memory_space<semaphore_mem>>) src(%dma_wait3A_41 : memref<80x128xf32, #tpu.memory_space<hbm>>) dst(%arg10 : memref<80x128xf32, #tpu.memory_space<vmem>>)
        tpu.yield
      }) : () -> ()
      "tpu.region"() ({
        %run_scoped3A = tpu.sem_alloc : memref<!tpu.dma_semaphore, #tpu.memory_space<semaphore_mem>>
        %dma_start3A = arith.constant 0 : i32
        %dma_start3A_36 = tpu.memref_slice %arg4[%add3A, %dma_start3A] : memref<320000x128xf32, #tpu.memory_space<hbm>> -> memref<80x128xf32, #tpu.memory_space<hbm>>
        %dma_start3A_37 = arith.constant 0 : i32
        %dma_start3A_38 = tpu.memref_slice %arg4[%add3A, %dma_start3A_37] : memref<320000x128xf32, #tpu.memory_space<hbm>> -> memref<80x128xf32, #tpu.memory_space<hbm>>
        tpu.enqueue_dma source(%dma_start3A_38 : memref<80x128xf32, #tpu.memory_space<hbm>>) target(%arg11 : memref<80x128xf32, #tpu.memory_space<vmem>>) target_semaphore(%run_scoped3A : memref<!tpu.dma_semaphore, #tpu.memory_space<semaphore_mem>>)
        %dma_wait3A = arith.constant 0 : i32
        %dma_wait3A_39 = tpu.memref_slice %arg4[%add3A, %dma_wait3A] : memref<320000x128xf32, #tpu.memory_space<hbm>> -> memref<80x128xf32, #tpu.memory_space<hbm>>
        %dma_wait3A_40 = arith.constant 0 : i32
        %dma_wait3A_41 = tpu.memref_slice %arg4[%add3A, %dma_wait3A_40] : memref<320000x128xf32, #tpu.memory_space<hbm>> -> memref<80x128xf32, #tpu.memory_space<hbm>>
        tpu.wait_dma2 semaphore(%run_scoped3A : memref<!tpu.dma_semaphore, #tpu.memory_space<semaphore_mem>>) src(%dma_wait3A_41 : memref<80x128xf32, #tpu.memory_space<hbm>>) dst(%arg11 : memref<80x128xf32, #tpu.memory_space<vmem>>)
        tpu.yield
      }) : () -> ()
      %scan3A_30 = arith.constant 0 : i32
      %scan3A_31 = arith.constant 0 : i32
      %scan3A_32 = arith.constant 5 : i32
      %scan3A_33 = arith.addi %scan3A_31, %scan3A_32 : i32
      %scan3A_34 = arith.constant 1 : i32
      scf.for %scan3A_36 = %scan3A_31 to %scan3A_33 step %scan3A_34  : i32 {
        %mul3A_37 = arith.constant 16 : i32
        %mul3A_38 = arith.muli %scan3A_36, %mul3A_37 : i32
        %get3A = arith.index_cast %mul3A_38 : i32 to index
        %get3A_39 = tpu.vector_load %arg9[%get3A] {strides = array<i32>} : memref<80xi32, #tpu.memory_space<vmem>>, vector<16xi32>,
        %get3A_40 = vector.shape_cast %get3A_39 : vector<16xi32> to vector<16xi32>
        %sub3A = vector.broadcast %mul3A_0 : i32 to vector<16xi32>
        %sub3A_41 = arith.subi %get3A_40, %sub3A : vector<16xi32>
        %ge3A = arith.constant 0 : i32
        %ge3A_42 = vector.broadcast %ge3A : i32 to vector<16xi32>
        %ge3A_43 = arith.cmpi sge, %sub3A_41, %ge3A_42 : vector<16xi32>
        %lt3A = arith.constant 5120 : i32
        %lt3A_44 = vector.broadcast %lt3A : i32 to vector<16xi32>
        %lt3A_45 = arith.cmpi slt, %sub3A_41, %lt3A_44 : vector<16xi32>
        %and3A = arith.andi %ge3A_43, %lt3A_45 : vector<16xi1>
        %jit3A = arith.constant 5120 : i32
        %broadcast_in_dim3A = vector.broadcast %jit3A : i32 to vector<16xi32>
        %select_n3A = arith.select %and3A, %sub3A_41, %broadcast_in_dim3A : vector<16xi1>, vector<16xi32>
        %mul3A_46 = arith.constant 16 : i32
        %mul3A_47 = arith.muli %scan3A_36, %mul3A_46 : i32
        %swap3A = arith.index_cast %mul3A_47 : i32 to index
        %swap3A_48 = tpu.vector_load %arg9[%swap3A] {strides = array<i32>} : memref<80xi32, #tpu.memory_space<vmem>>, vector<16xi32>,
        %swap3A_49 = vector.shape_cast %swap3A_48 : vector<16xi32> to vector<16xi32>
        %swap3A_50 = vector.shape_cast %select_n3A : vector<16xi32> to vector<16xi32>
        tpu.vector_store %arg9[%swap3A], %swap3A_50 {strides = array<i32>} : memref<80xi32, #tpu.memory_space<vmem>>, vector<16xi32>,
      }
      %scan3A_35 = arith.constant 5 : i32
      "tpu.region"() ({
        %run_scoped3A = tpu.sem_alloc : memref<!tpu.dma_semaphore, #tpu.memory_space<semaphore_mem>>
        %dma_start3A = arith.constant 0 : i32
        %dma_start3A_36 = arith.constant 0 : i32
        %dma_start3A_37 = tpu.memref_slice %arg7[%dma_start3A, %dma_start3A_36] : memref<5184x128xf32, #tpu.memory_space<vmem_shared>> -> memref<5184x128xf32, #tpu.memory_space<vmem_shared>>
        tpu.enqueue_indirect_dma source(%arg10 : memref<80x128xf32, #tpu.memory_space<vmem>>) target(%dma_start3A_37 : memref<5184x128xf32, #tpu.memory_space<vmem_shared>>) offsets(%arg9 : memref<80xi32, #tpu.memory_space<vmem>>) semaphore(%run_scoped3A : memref<!tpu.dma_semaphore, #tpu.memory_space<semaphore_mem>>) {add = true}
        %dma_wait3A = arith.constant 0 : i32
        %dma_wait3A_38 = arith.constant 0 : i32
        %dma_wait3A_39 = tpu.memref_slice %arg7[%dma_wait3A, %dma_wait3A_38] : memref<5184x128xf32, #tpu.memory_space<vmem_shared>> -> memref<5184x128xf32, #tpu.memory_space<vmem_shared>>
        tpu.wait_indirect_dma semaphore(%run_scoped3A : memref<!tpu.dma_semaphore, #tpu.memory_space<semaphore_mem>>) src(%arg10 : memref<80x128xf32, #tpu.memory_space<vmem>>) dst(%dma_wait3A_39 : memref<5184x128xf32, #tpu.memory_space<vmem_shared>>)
        tpu.yield
      }) : () -> ()
      "tpu.region"() ({
        %run_scoped3A = tpu.sem_alloc : memref<!tpu.dma_semaphore, #tpu.memory_space<semaphore_mem>>
        %dma_start3A = arith.constant 0 : i32
        %dma_start3A_36 = arith.constant 0 : i32
        %dma_start3A_37 = tpu.memref_slice %arg8[%dma_start3A, %dma_start3A_36] : memref<5184x128xf32, #tpu.memory_space<vmem_shared>> -> memref<5184x128xf32, #tpu.memory_space<vmem_shared>>
        tpu.enqueue_indirect_dma source(%arg11 : memref<80x128xf32, #tpu.memory_space<vmem>>) target(%dma_start3A_37 : memref<5184x128xf32, #tpu.memory_space<vmem_shared>>) offsets(%arg9 : memref<80xi32, #tpu.memory_space<vmem>>) semaphore(%run_scoped3A : memref<!tpu.dma_semaphore, #tpu.memory_space<semaphore_mem>>) {add = true}
        %dma_wait3A = arith.constant 0 : i32
        %dma_wait3A_38 = arith.constant 0 : i32
        %dma_wait3A_39 = tpu.memref_slice %arg8[%dma_wait3A, %dma_wait3A_38] : memref<5184x128xf32, #tpu.memory_space<vmem_shared>> -> memref<5184x128xf32, #tpu.memory_space<vmem_shared>>
        tpu.wait_indirect_dma semaphore(%run_scoped3A : memref<!tpu.dma_semaphore, #tpu.memory_space<semaphore_mem>>) src(%arg11 : memref<80x128xf32, #tpu.memory_space<vmem>>) dst(%dma_wait3A_39 : memref<5184x128xf32, #tpu.memory_space<vmem_shared>>)
        tpu.yield
      }) : () -> ()
    }
    %scan3A_17 = arith.constant 250 : i32
    %barrier3A_18 = arith.constant 0 : index
    tpu.barrier barrier_id(%barrier3A_18)
    %scan3A_19 = arith.constant 0 : i32
    %scan3A_20 = arith.constant 0 : i32
    %scan3A_21 = arith.constant 5 : i32
    %scan3A_22 = arith.addi %scan3A_20, %scan3A_21 : i32
    %scan3A_23 = arith.constant 1 : i32
    scf.for %scan3A_25 = %scan3A_20 to %scan3A_22 step %scan3A_23  : i32 {
      %mul3A_26 = arith.constant 16 : i32
      %mul3A_27 = arith.muli %scan3A_25, %mul3A_26 : i32
      %add3A = arith.addi %mul3A_27, %arg1 : i32
      %lt3A = arith.constant 80 : i32
      %lt3A_28 = arith.cmpi slt, %add3A, %lt3A : i32
      %convert_element_type3A = arith.extui %lt3A_28 : i1 to i32
      %cond3A = arith.constant 0 : i32
      %cond3A_29 = arith.cmpi ne, %convert_element_type3A, %cond3A : i32
      scf.if %cond3A_29 {
        %mul3A_30 = arith.constant 64 : i32
        %mul3A_31 = arith.muli %add3A, %mul3A_30 : i32
        "tpu.region"() ({
          %run_scoped3A = tpu.sem_alloc : memref<!tpu.dma_semaphore, #tpu.memory_space<semaphore_mem>>
          %dma_start3A = arith.constant 0 : i32
          %dma_start3A_38 = tpu.memref_slice %arg7[%mul3A_31, %dma_start3A] : memref<5184x128xf32, #tpu.memory_space<vmem_shared>> -> memref<64x128xf32, #tpu.memory_space<vmem_shared>>
          %dma_start3A_39 = arith.constant 0 : i32
          %dma_start3A_40 = tpu.memref_slice %arg7[%mul3A_31, %dma_start3A_39] : memref<5184x128xf32, #tpu.memory_space<vmem_shared>> -> memref<64x128xf32, #tpu.memory_space<vmem_shared>>
          tpu.enqueue_dma source(%dma_start3A_40 : memref<64x128xf32, #tpu.memory_space<vmem_shared>>) target(%arg12 : memref<64x128xf32, #tpu.memory_space<vmem>>) target_semaphore(%run_scoped3A : memref<!tpu.dma_semaphore, #tpu.memory_space<semaphore_mem>>)
          %dma_wait3A = arith.constant 0 : i32
          %dma_wait3A_41 = tpu.memref_slice %arg7[%mul3A_31, %dma_wait3A] : memref<5184x128xf32, #tpu.memory_space<vmem_shared>> -> memref<64x128xf32, #tpu.memory_space<vmem_shared>>
          %dma_wait3A_42 = arith.constant 0 : i32
          %dma_wait3A_43 = tpu.memref_slice %arg7[%mul3A_31, %dma_wait3A_42] : memref<5184x128xf32, #tpu.memory_space<vmem_shared>> -> memref<64x128xf32, #tpu.memory_space<vmem_shared>>
          tpu.wait_dma2 semaphore(%run_scoped3A : memref<!tpu.dma_semaphore, #tpu.memory_space<semaphore_mem>>) src(%dma_wait3A_43 : memref<64x128xf32, #tpu.memory_space<vmem_shared>>) dst(%arg12 : memref<64x128xf32, #tpu.memory_space<vmem>>)
          tpu.yield
        }) : () -> ()
        %mul3A_32 = arith.constant 64 : i32
        %mul3A_33 = arith.muli %add3A, %mul3A_32 : i32
        "tpu.region"() ({
          %run_scoped3A = tpu.sem_alloc : memref<!tpu.dma_semaphore, #tpu.memory_space<semaphore_mem>>
          %dma_start3A = arith.constant 0 : i32
          %dma_start3A_38 = tpu.memref_slice %arg5[%arg0, %mul3A_33, %dma_start3A] : memref<2x5120x128xf32, #tpu.memory_space<hbm>> -> memref<1x64x128xf32, #tpu.memory_space<hbm>>
          %dma_start3A_39 = tpu.memref_squeeze %dma_start3A_38 : memref<1x64x128xf32, #tpu.memory_space<hbm>> -> memref<64x128xf32, #tpu.memory_space<hbm>>
          %dma_start3A_40 = arith.constant 0 : i32
          %dma_start3A_41 = tpu.memref_slice %arg5[%arg0, %mul3A_33, %dma_start3A_40] : memref<2x5120x128xf32, #tpu.memory_space<hbm>> -> memref<1x64x128xf32, #tpu.memory_space<hbm>>
          %dma_start3A_42 = tpu.memref_squeeze %dma_start3A_41 : memref<1x64x128xf32, #tpu.memory_space<hbm>> -> memref<64x128xf32, #tpu.memory_space<hbm>>
          tpu.enqueue_dma source(%arg12 : memref<64x128xf32, #tpu.memory_space<vmem>>) target(%dma_start3A_42 : memref<64x128xf32, #tpu.memory_space<hbm>>) target_semaphore(%run_scoped3A : memref<!tpu.dma_semaphore, #tpu.memory_space<semaphore_mem>>)
          %dma_wait3A = arith.constant 0 : i32
          %dma_wait3A_43 = tpu.memref_slice %arg5[%arg0, %mul3A_33, %dma_wait3A] : memref<2x5120x128xf32, #tpu.memory_space<hbm>> -> memref<1x64x128xf32, #tpu.memory_space<hbm>>
          %dma_wait3A_44 = tpu.memref_squeeze %dma_wait3A_43 : memref<1x64x128xf32, #tpu.memory_space<hbm>> -> memref<64x128xf32, #tpu.memory_space<hbm>>
          %dma_wait3A_45 = arith.constant 0 : i32
          %dma_wait3A_46 = tpu.memref_slice %arg5[%arg0, %mul3A_33, %dma_wait3A_45] : memref<2x5120x128xf32, #tpu.memory_space<hbm>> -> memref<1x64x128xf32, #tpu.memory_space<hbm>>
          %dma_wait3A_47 = tpu.memref_squeeze %dma_wait3A_46 : memref<1x64x128xf32, #tpu.memory_space<hbm>> -> memref<64x128xf32, #tpu.memory_space<hbm>>
          tpu.wait_dma2 semaphore(%run_scoped3A : memref<!tpu.dma_semaphore, #tpu.memory_space<semaphore_mem>>) src(%arg12 : memref<64x128xf32, #tpu.memory_space<vmem>>) dst(%dma_wait3A_47 : memref<64x128xf32, #tpu.memory_space<hbm>>)
          tpu.yield
        }) : () -> ()
        %mul3A_34 = arith.constant 64 : i32
        %mul3A_35 = arith.muli %add3A, %mul3A_34 : i32
        "tpu.region"() ({
          %run_scoped3A = tpu.sem_alloc : memref<!tpu.dma_semaphore, #tpu.memory_space<semaphore_mem>>
          %dma_start3A = arith.constant 0 : i32
          %dma_start3A_38 = tpu.memref_slice %arg8[%mul3A_35, %dma_start3A] : memref<5184x128xf32, #tpu.memory_space<vmem_shared>> -> memref<64x128xf32, #tpu.memory_space<vmem_shared>>
          %dma_start3A_39 = arith.constant 0 : i32
          %dma_start3A_40 = tpu.memref_slice %arg8[%mul3A_35, %dma_start3A_39] : memref<5184x128xf32, #tpu.memory_space<vmem_shared>> -> memref<64x128xf32, #tpu.memory_space<vmem_shared>>
          tpu.enqueue_dma source(%dma_start3A_40 : memref<64x128xf32, #tpu.memory_space<vmem_shared>>) target(%arg12 : memref<64x128xf32, #tpu.memory_space<vmem>>) target_semaphore(%run_scoped3A : memref<!tpu.dma_semaphore, #tpu.memory_space<semaphore_mem>>)
          %dma_wait3A = arith.constant 0 : i32
          %dma_wait3A_41 = tpu.memref_slice %arg8[%mul3A_35, %dma_wait3A] : memref<5184x128xf32, #tpu.memory_space<vmem_shared>> -> memref<64x128xf32, #tpu.memory_space<vmem_shared>>
          %dma_wait3A_42 = arith.constant 0 : i32
          %dma_wait3A_43 = tpu.memref_slice %arg8[%mul3A_35, %dma_wait3A_42] : memref<5184x128xf32, #tpu.memory_space<vmem_shared>> -> memref<64x128xf32, #tpu.memory_space<vmem_shared>>
          tpu.wait_dma2 semaphore(%run_scoped3A : memref<!tpu.dma_semaphore, #tpu.memory_space<semaphore_mem>>) src(%dma_wait3A_43 : memref<64x128xf32, #tpu.memory_space<vmem_shared>>) dst(%arg12 : memref<64x128xf32, #tpu.memory_space<vmem>>)
          tpu.yield
        }) : () -> ()
        %mul3A_36 = arith.constant 64 : i32
        %mul3A_37 = arith.muli %add3A, %mul3A_36 : i32
        "tpu.region"() ({
          %run_scoped3A = tpu.sem_alloc : memref<!tpu.dma_semaphore, #tpu.memory_space<semaphore_mem>>
          %dma_start3A = arith.constant 0 : i32
          %dma_start3A_38 = tpu.memref_slice %arg6[%arg0, %mul3A_37, %dma_start3A] : memref<2x5120x128xf32, #tpu.memory_space<hbm>> -> memref<1x64x128xf32, #tpu.memory_space<hbm>>
          %dma_start3A_39 = tpu.memref_squeeze %dma_start3A_38 : memref<1x64x128xf32, #tpu.memory_space<hbm>> -> memref<64x128xf32, #tpu.memory_space<hbm>>
          %dma_start3A_40 = arith.constant 0 : i32
          %dma_start3A_41 = tpu.memref_slice %arg6[%arg0, %mul3A_37, %dma_start3A_40] : memref<2x5120x128xf32, #tpu.memory_space<hbm>> -> memref<1x64x128xf32, #tpu.memory_space<hbm>>
          %dma_start3A_42 = tpu.memref_squeeze %dma_start3A_41 : memref<1x64x128xf32, #tpu.memory_space<hbm>> -> memref<64x128xf32, #tpu.memory_space<hbm>>
          tpu.enqueue_dma source(%arg12 : memref<64x128xf32, #tpu.memory_space<vmem>>) target(%dma_start3A_42 : memref<64x128xf32, #tpu.memory_space<hbm>>) target_semaphore(%run_scoped3A : memref<!tpu.dma_semaphore, #tpu.memory_space<semaphore_mem>>)
          %dma_wait3A = arith.constant 0 : i32
          %dma_wait3A_43 = tpu.memref_slice %arg6[%arg0, %mul3A_37, %dma_wait3A] : memref<2x5120x128xf32, #tpu.memory_space<hbm>> -> memref<1x64x128xf32, #tpu.memory_space<hbm>>
          %dma_wait3A_44 = tpu.memref_squeeze %dma_wait3A_43 : memref<1x64x128xf32, #tpu.memory_space<hbm>> -> memref<64x128xf32, #tpu.memory_space<hbm>>
          %dma_wait3A_45 = arith.constant 0 : i32
          %dma_wait3A_46 = tpu.memref_slice %arg6[%arg0, %mul3A_37, %dma_wait3A_45] : memref<2x5120x128xf32, #tpu.memory_space<hbm>> -> memref<1x64x128xf32, #tpu.memory_space<hbm>>
          %dma_wait3A_47 = tpu.memref_squeeze %dma_wait3A_46 : memref<1x64x128xf32, #tpu.memory_space<hbm>> -> memref<64x128xf32, #tpu.memory_space<hbm>>
          tpu.wait_dma2 semaphore(%run_scoped3A : memref<!tpu.dma_semaphore, #tpu.memory_space<semaphore_mem>>) src(%arg12 : memref<64x128xf32, #tpu.memory_space<vmem>>) dst(%dma_wait3A_47 : memref<64x128xf32, #tpu.memory_space<hbm>>)
          tpu.yield
        }) : () -> ()
      } else {
      }
    }
    %scan3A_24 = arith.constant 5 : i32
    return
  }
}

module attributes {stable_mosaic.version = 14 : i64} {
  func.func @_qkv_body(%arg0: i32, %arg1: memref<1000x128xf32, #tpu.memory_space<vmem>>, %arg2: memref<1x128xf32, #tpu.memory_space<vmem>>, %arg3: memref<1x128xf32, #tpu.memory_space<vmem>>, %arg4: memref<128x128xf32, #tpu.memory_space<vmem>>, %arg5: memref<128x128xf32, #tpu.memory_space<vmem>>, %arg6: memref<128x128xf32, #tpu.memory_space<vmem>>, %arg7: memref<1000x128xf32, #tpu.memory_space<vmem>>, %arg8: memref<1000x128xf32, #tpu.memory_space<vmem>>, %arg9: memref<1000x128xf32, #tpu.memory_space<vmem>>) attributes {dimension_semantics = [#tpu.dimension_semantics<arbitrary>], iteration_bounds = array<i64: 10>, scalar_prefetch = 0 : i64, scratch_operands = 0 : i64, tpu.core_type = #tpu.core_type<tc>, window_params = [{transform_indices = @transform_0, window_bounds = array<i64: 1000, 128>}, {pipeline_mode = #tpu.pipeline_mode<synchronous>, transform_indices = @transform_1, window_bounds = array<i64: 1, 128>}, {pipeline_mode = #tpu.pipeline_mode<synchronous>, transform_indices = @transform_2, window_bounds = array<i64: 1, 128>}, {pipeline_mode = #tpu.pipeline_mode<synchronous>, transform_indices = @transform_3, window_bounds = array<i64: 128, 128>}, {pipeline_mode = #tpu.pipeline_mode<synchronous>, transform_indices = @transform_4, window_bounds = array<i64: 128, 128>}, {pipeline_mode = #tpu.pipeline_mode<synchronous>, transform_indices = @transform_5, window_bounds = array<i64: 128, 128>}, {transform_indices = @transform_6, window_bounds = array<i64: 1000, 128>}, {transform_indices = @transform_7, window_bounds = array<i64: 1000, 128>}, {transform_indices = @transform_8, window_bounds = array<i64: 1000, 128>}]} {
    %get3A = arith.constant 0 : index
    %get3A_0 = arith.constant 0 : index
    %get3A_1 = vector.load %arg1[%get3A, %get3A_0] : memref<1000x128xf32, #tpu.memory_space<vmem>>, vector<1000x128xf32>
    %get3A_2 = arith.constant 0 : index
    %get3A_3 = arith.constant 0 : index
    %get3A_4 = vector.load %arg2[%get3A_2, %get3A_3] : memref<1x128xf32, #tpu.memory_space<vmem>>, vector<1x128xf32>
    %get3A_5 = arith.constant 0 : index
    %get3A_6 = arith.constant 0 : index
    %get3A_7 = vector.load %arg3[%get3A_5, %get3A_6] : memref<1x128xf32, #tpu.memory_space<vmem>>, vector<1x128xf32>
    %reduce_sum3A = arith.constant dense<0.000000e+00> : vector<1000xf32>
    %reduce_sum3A_8 = vector.multi_reduction <add>, %get3A_1, %reduce_sum3A [1] : vector<1000x128xf32> to vector<1000xf32>
    %broadcast_in_dim3A = vector.shape_cast %reduce_sum3A_8 : vector<1000xf32> to vector<1000x1xf32>
    %div3A = arith.constant 1.280000e+02 : f32
    %div3A_9 = vector.broadcast %div3A : f32 to vector<1000x1xf32>
    %div3A_10 = arith.divf %broadcast_in_dim3A, %div3A_9 : vector<1000x1xf32>
    %sub3A = vector.broadcast %div3A_10 : vector<1000x1xf32> to vector<1000x128xf32>
    %sub3A_11 = arith.subf %get3A_1, %sub3A : vector<1000x128xf32>
    %integer_pow3A = arith.mulf %sub3A_11, %sub3A_11 : vector<1000x128xf32>
    %reduce_sum3A_12 = arith.constant dense<0.000000e+00> : vector<1000xf32>
    %reduce_sum3A_13 = vector.multi_reduction <add>, %integer_pow3A, %reduce_sum3A_12 [1] : vector<1000x128xf32> to vector<1000xf32>
    %broadcast_in_dim3A_14 = vector.shape_cast %reduce_sum3A_13 : vector<1000xf32> to vector<1000x1xf32>
    %div3A_15 = arith.constant 1.280000e+02 : f32
    %div3A_16 = vector.broadcast %div3A_15 : f32 to vector<1000x1xf32>
    %div3A_17 = arith.divf %broadcast_in_dim3A_14, %div3A_16 : vector<1000x1xf32>
    %sub3A_18 = vector.broadcast %div3A_10 : vector<1000x1xf32> to vector<1000x128xf32>
    %sub3A_19 = arith.subf %get3A_1, %sub3A_18 : vector<1000x128xf32>
    %add3A = arith.constant 9.99999974E-6 : f32
    %add3A_20 = vector.broadcast %add3A : f32 to vector<1000x1xf32>
    %add3A_21 = arith.addf %div3A_17, %add3A_20 : vector<1000x1xf32>
    %sqrt3A = math.sqrt %add3A_21 : vector<1000x1xf32>
    %div3A_22 = vector.broadcast %sqrt3A : vector<1000x1xf32> to vector<1000x128xf32>
    %div3A_23 = arith.divf %sub3A_19, %div3A_22 : vector<1000x128xf32>
    %mul3A = vector.broadcast %get3A_4 : vector<1x128xf32> to vector<1000x128xf32>
    %mul3A_24 = arith.mulf %div3A_23, %mul3A : vector<1000x128xf32>
    %add3A_25 = vector.broadcast %get3A_7 : vector<1x128xf32> to vector<1000x128xf32>
    %add3A_26 = arith.addf %mul3A_24, %add3A_25 : vector<1000x128xf32>
    %get3A_27 = arith.constant 0 : index
    %get3A_28 = arith.constant 0 : index
    %get3A_29 = vector.load %arg4[%get3A_27, %get3A_28] : memref<128x128xf32, #tpu.memory_space<vmem>>, vector<128x128xf32>
    %dot_general3A = arith.constant dense<0.000000e+00> : vector<1000x128xf32>
    %dot_general3A_30 = tpu.matmul %add3A_26, %get3A_29, %dot_general3A {dimension_numbers = #tpu.dot_dimension_numbers<[1], [0], [0], [1], [0, 0, 1, 1], [], []>, transpose_lhs_hint = false} : vector<1000x128xf32>, vector<128x128xf32>, vector<1000x128xf32> -> vector<1000x128xf32>
    %swap3A = arith.constant 0 : index
    %swap3A_31 = arith.constant 0 : index
    %swap3A_32 = vector.load %arg7[%swap3A, %swap3A_31] : memref<1000x128xf32, #tpu.memory_space<vmem>>, vector<1000x128xf32>
    tpu.vector_store %arg7[%swap3A, %swap3A_31], %dot_general3A_30 {strides = array<i32>} : memref<1000x128xf32, #tpu.memory_space<vmem>>, vector<1000x128xf32>,
    %get3A_33 = arith.constant 0 : index
    %get3A_34 = arith.constant 0 : index
    %get3A_35 = vector.load %arg5[%get3A_33, %get3A_34] : memref<128x128xf32, #tpu.memory_space<vmem>>, vector<128x128xf32>
    %dot_general3A_36 = arith.constant dense<0.000000e+00> : vector<1000x128xf32>
    %dot_general3A_37 = tpu.matmul %add3A_26, %get3A_35, %dot_general3A_36 {dimension_numbers = #tpu.dot_dimension_numbers<[1], [0], [0], [1], [0, 0, 1, 1], [], []>, transpose_lhs_hint = false} : vector<1000x128xf32>, vector<128x128xf32>, vector<1000x128xf32> -> vector<1000x128xf32>
    %swap3A_38 = arith.constant 0 : index
    %swap3A_39 = arith.constant 0 : index
    %swap3A_40 = vector.load %arg8[%swap3A_38, %swap3A_39] : memref<1000x128xf32, #tpu.memory_space<vmem>>, vector<1000x128xf32>
    tpu.vector_store %arg8[%swap3A_38, %swap3A_39], %dot_general3A_37 {strides = array<i32>} : memref<1000x128xf32, #tpu.memory_space<vmem>>, vector<1000x128xf32>,
    %get3A_41 = arith.constant 0 : index
    %get3A_42 = arith.constant 0 : index
    %get3A_43 = vector.load %arg6[%get3A_41, %get3A_42] : memref<128x128xf32, #tpu.memory_space<vmem>>, vector<128x128xf32>
    %dot_general3A_44 = arith.constant dense<0.000000e+00> : vector<1000x128xf32>
    %dot_general3A_45 = tpu.matmul %add3A_26, %get3A_43, %dot_general3A_44 {dimension_numbers = #tpu.dot_dimension_numbers<[1], [0], [0], [1], [0, 0, 1, 1], [], []>, transpose_lhs_hint = false} : vector<1000x128xf32>, vector<128x128xf32>, vector<1000x128xf32> -> vector<1000x128xf32>
    %swap3A_46 = arith.constant 0 : index
    %swap3A_47 = arith.constant 0 : index
    %swap3A_48 = vector.load %arg9[%swap3A_46, %swap3A_47] : memref<1000x128xf32, #tpu.memory_space<vmem>>, vector<1000x128xf32>
    tpu.vector_store %arg9[%swap3A_46, %swap3A_47], %dot_general3A_45 {strides = array<i32>} : memref<1000x128xf32, #tpu.memory_space<vmem>>, vector<1000x128xf32>,
    return
  }
  func.func @transform_0(%arg0: i32) -> (i32, i32) {
    %c0_i32 = arith.constant 0 : i32
    %c0_i32_0 = arith.constant 0 : i32
    return %arg0, %c0_i32 : i32, i32
  }
  func.func @transform_1(%arg0: i32) -> (i32, i32) {
    %c0_i32 = arith.constant 0 : i32
    %c0_i32_0 = arith.constant 0 : i32
    %c0_i32_1 = arith.constant 0 : i32
    return %c0_i32, %c0_i32_0 : i32, i32
  }
  func.func @transform_2(%arg0: i32) -> (i32, i32) {
    %c0_i32 = arith.constant 0 : i32
    %c0_i32_0 = arith.constant 0 : i32
    %c0_i32_1 = arith.constant 0 : i32
    return %c0_i32, %c0_i32_0 : i32, i32
  }
  func.func @transform_3(%arg0: i32) -> (i32, i32) {
    %c0_i32 = arith.constant 0 : i32
    %c0_i32_0 = arith.constant 0 : i32
    %c0_i32_1 = arith.constant 0 : i32
    return %c0_i32, %c0_i32_0 : i32, i32
  }
  func.func @transform_4(%arg0: i32) -> (i32, i32) {
    %c0_i32 = arith.constant 0 : i32
    %c0_i32_0 = arith.constant 0 : i32
    %c0_i32_1 = arith.constant 0 : i32
    return %c0_i32, %c0_i32_0 : i32, i32
  }
  func.func @transform_5(%arg0: i32) -> (i32, i32) {
    %c0_i32 = arith.constant 0 : i32
    %c0_i32_0 = arith.constant 0 : i32
    %c0_i32_1 = arith.constant 0 : i32
    return %c0_i32, %c0_i32_0 : i32, i32
  }
  func.func @transform_6(%arg0: i32) -> (i32, i32) {
    %c0_i32 = arith.constant 0 : i32
    %c0_i32_0 = arith.constant 0 : i32
    return %arg0, %c0_i32 : i32, i32
  }
  func.func @transform_7(%arg0: i32) -> (i32, i32) {
    %c0_i32 = arith.constant 0 : i32
    %c0_i32_0 = arith.constant 0 : i32
    return %arg0, %c0_i32 : i32, i32
  }
  func.func @transform_8(%arg0: i32) -> (i32, i32) {
    %c0_i32 = arith.constant 0 : i32
    %c0_i32_0 = arith.constant 0 : i32
    return %arg0, %c0_i32 : i32, i32
  }
}

module attributes {stable_mosaic.version = 14 : i64} {
  func.func @_edge_body(%arg0: i32, %arg1: memref<2000x128xf32, #tpu.memory_space<vmem>>, %arg2: memref<2000x128xf32, #tpu.memory_space<vmem>>, %arg3: memref<2000x128xf32, #tpu.memory_space<vmem>>, %arg4: memref<2000x16xf32, #tpu.memory_space<vmem>>, %arg5: memref<16x32xf32, #tpu.memory_space<vmem>>, %arg6: memref<1x32xf32, #tpu.memory_space<vmem>>, %arg7: memref<32x4xf32, #tpu.memory_space<vmem>>, %arg8: memref<1x4xf32, #tpu.memory_space<vmem>>, %arg9: memref<16x32xf32, #tpu.memory_space<vmem>>, %arg10: memref<1x32xf32, #tpu.memory_space<vmem>>, %arg11: memref<32x128xf32, #tpu.memory_space<vmem>>, %arg12: memref<1x128xf32, #tpu.memory_space<vmem>>, %arg13: memref<2000x128xf32, #tpu.memory_space<vmem>>, %arg14: memref<2000x128xf32, #tpu.memory_space<vmem>>) attributes {dimension_semantics = [#tpu.dimension_semantics<arbitrary>], iteration_bounds = array<i64: 160>, scalar_prefetch = 0 : i64, scratch_operands = 0 : i64, tpu.core_type = #tpu.core_type<tc>, window_params = [{transform_indices = @transform_0, window_bounds = array<i64: 2000, 128>}, {transform_indices = @transform_1, window_bounds = array<i64: 2000, 128>}, {transform_indices = @transform_2, window_bounds = array<i64: 2000, 128>}, {transform_indices = @transform_3, window_bounds = array<i64: 2000, 16>}, {pipeline_mode = #tpu.pipeline_mode<synchronous>, transform_indices = @transform_4, window_bounds = array<i64: 16, 32>}, {pipeline_mode = #tpu.pipeline_mode<synchronous>, transform_indices = @transform_5, window_bounds = array<i64: 1, 32>}, {pipeline_mode = #tpu.pipeline_mode<synchronous>, transform_indices = @transform_6, window_bounds = array<i64: 32, 4>}, {pipeline_mode = #tpu.pipeline_mode<synchronous>, transform_indices = @transform_7, window_bounds = array<i64: 1, 4>}, {pipeline_mode = #tpu.pipeline_mode<synchronous>, transform_indices = @transform_8, window_bounds = array<i64: 16, 32>}, {pipeline_mode = #tpu.pipeline_mode<synchronous>, transform_indices = @transform_9, window_bounds = array<i64: 1, 32>}, {pipeline_mode = #tpu.pipeline_mode<synchronous>, transform_indices = @transform_10, window_bounds = array<i64: 32, 128>}, {pipeline_mode = #tpu.pipeline_mode<synchronous>, transform_indices = @transform_11, window_bounds = array<i64: 1, 128>}, {transform_indices = @transform_12, window_bounds = array<i64: 2000, 128>}, {transform_indices = @transform_13, window_bounds = array<i64: 2000, 128>}]} {
    %get3A = arith.constant 0 : index
    %get3A_0 = arith.constant 0 : index
    %get3A_1 = vector.load %arg4[%get3A, %get3A_0] : memref<2000x16xf32, #tpu.memory_space<vmem>>, vector<2000x16xf32>
    %get3A_2 = arith.constant 0 : index
    %get3A_3 = arith.constant 0 : index
    %get3A_4 = vector.load %arg5[%get3A_2, %get3A_3] : memref<16x32xf32, #tpu.memory_space<vmem>>, vector<16x32xf32>
    %dot_general3A = arith.constant dense<0.000000e+00> : vector<2000x32xf32>
    %dot_general3A_5 = tpu.matmul %get3A_1, %get3A_4, %dot_general3A {dimension_numbers = #tpu.dot_dimension_numbers<[1], [0], [0], [1], [0, 0, 1, 1], [], []>, transpose_lhs_hint = false} : vector<2000x16xf32>, vector<16x32xf32>, vector<2000x32xf32> -> vector<2000x32xf32>
    %get3A_6 = arith.constant 0 : index
    %get3A_7 = arith.constant 0 : index
    %get3A_8 = vector.load %arg6[%get3A_6, %get3A_7] : memref<1x32xf32, #tpu.memory_space<vmem>>, vector<1x32xf32>
    %add3A = vector.broadcast %get3A_8 : vector<1x32xf32> to vector<2000x32xf32>
    %add3A_9 = arith.addf %dot_general3A_5, %add3A : vector<2000x32xf32>
    %mul3A = arith.constant 5.000000e-01 : f32
    %mul3A_10 = vector.broadcast %mul3A : f32 to vector<2000x32xf32>
    %mul3A_11 = arith.mulf %mul3A_10, %add3A_9 : vector<2000x32xf32>
    %mul3A_12 = arith.constant 0.707106769 : f32
    %mul3A_13 = vector.broadcast %mul3A_12 : f32 to vector<2000x32xf32>
    %mul3A_14 = arith.mulf %add3A_9, %mul3A_13 : vector<2000x32xf32>
    %erf3A = math.erf %mul3A_14 : vector<2000x32xf32>
    %add3A_15 = arith.constant 1.000000e+00 : f32
    %add3A_16 = vector.broadcast %add3A_15 : f32 to vector<2000x32xf32>
    %add3A_17 = arith.addf %add3A_16, %erf3A : vector<2000x32xf32>
    %mul3A_18 = arith.mulf %mul3A_11, %add3A_17 : vector<2000x32xf32>
    %get3A_19 = arith.constant 0 : index
    %get3A_20 = arith.constant 0 : index
    %get3A_21 = vector.load %arg7[%get3A_19, %get3A_20] : memref<32x4xf32, #tpu.memory_space<vmem>>, vector<32x4xf32>
    %dot_general3A_22 = arith.constant dense<0.000000e+00> : vector<2000x4xf32>
    %dot_general3A_23 = tpu.matmul %mul3A_18, %get3A_21, %dot_general3A_22 {dimension_numbers = #tpu.dot_dimension_numbers<[1], [0], [0], [1], [0, 0, 1, 1], [], []>, transpose_lhs_hint = false} : vector<2000x32xf32>, vector<32x4xf32>, vector<2000x4xf32> -> vector<2000x4xf32>
    %get3A_24 = arith.constant 0 : index
    %get3A_25 = arith.constant 0 : index
    %get3A_26 = vector.load %arg8[%get3A_24, %get3A_25] : memref<1x4xf32, #tpu.memory_space<vmem>>, vector<1x4xf32>
    %add3A_27 = vector.broadcast %get3A_26 : vector<1x4xf32> to vector<2000x4xf32>
    %add3A_28 = arith.addf %dot_general3A_23, %add3A_27 : vector<2000x4xf32>
    %get3A_29 = arith.constant 0 : index
    %get3A_30 = arith.constant 0 : index
    %get3A_31 = vector.load %arg9[%get3A_29, %get3A_30] : memref<16x32xf32, #tpu.memory_space<vmem>>, vector<16x32xf32>
    %dot_general3A_32 = arith.constant dense<0.000000e+00> : vector<2000x32xf32>
    %dot_general3A_33 = tpu.matmul %get3A_1, %get3A_31, %dot_general3A_32 {dimension_numbers = #tpu.dot_dimension_numbers<[1], [0], [0], [1], [0, 0, 1, 1], [], []>, transpose_lhs_hint = false} : vector<2000x16xf32>, vector<16x32xf32>, vector<2000x32xf32> -> vector<2000x32xf32>
    %get3A_34 = arith.constant 0 : index
    %get3A_35 = arith.constant 0 : index
    %get3A_36 = vector.load %arg10[%get3A_34, %get3A_35] : memref<1x32xf32, #tpu.memory_space<vmem>>, vector<1x32xf32>
    %add3A_37 = vector.broadcast %get3A_36 : vector<1x32xf32> to vector<2000x32xf32>
    %add3A_38 = arith.addf %dot_general3A_33, %add3A_37 : vector<2000x32xf32>
    %mul3A_39 = arith.constant 5.000000e-01 : f32
    %mul3A_40 = vector.broadcast %mul3A_39 : f32 to vector<2000x32xf32>
    %mul3A_41 = arith.mulf %mul3A_40, %add3A_38 : vector<2000x32xf32>
    %mul3A_42 = arith.constant 0.707106769 : f32
    %mul3A_43 = vector.broadcast %mul3A_42 : f32 to vector<2000x32xf32>
    %mul3A_44 = arith.mulf %add3A_38, %mul3A_43 : vector<2000x32xf32>
    %erf3A_45 = math.erf %mul3A_44 : vector<2000x32xf32>
    %add3A_46 = arith.constant 1.000000e+00 : f32
    %add3A_47 = vector.broadcast %add3A_46 : f32 to vector<2000x32xf32>
    %add3A_48 = arith.addf %add3A_47, %erf3A_45 : vector<2000x32xf32>
    %mul3A_49 = arith.mulf %mul3A_41, %add3A_48 : vector<2000x32xf32>
    %get3A_50 = arith.constant 0 : index
    %get3A_51 = arith.constant 0 : index
    %get3A_52 = vector.load %arg11[%get3A_50, %get3A_51] : memref<32x128xf32, #tpu.memory_space<vmem>>, vector<32x128xf32>
    %dot_general3A_53 = arith.constant dense<0.000000e+00> : vector<2000x128xf32>
    %dot_general3A_54 = tpu.matmul %mul3A_49, %get3A_52, %dot_general3A_53 {dimension_numbers = #tpu.dot_dimension_numbers<[1], [0], [0], [1], [0, 0, 1, 1], [], []>, transpose_lhs_hint = false} : vector<2000x32xf32>, vector<32x128xf32>, vector<2000x128xf32> -> vector<2000x128xf32>
    %get3A_55 = arith.constant 0 : index
    %get3A_56 = arith.constant 0 : index
    %get3A_57 = vector.load %arg12[%get3A_55, %get3A_56] : memref<1x128xf32, #tpu.memory_space<vmem>>, vector<1x128xf32>
    %add3A_58 = vector.broadcast %get3A_57 : vector<1x128xf32> to vector<2000x128xf32>
    %add3A_59 = arith.addf %dot_general3A_54, %add3A_58 : vector<2000x128xf32>
    %logistic3A = arith.negf %add3A_59 : vector<2000x128xf32>
    %logistic3A_60 = math.exp %logistic3A : vector<2000x128xf32>
    %logistic3A_61 = arith.constant 1.000000e+00 : f32
    %logistic3A_62 = vector.broadcast %logistic3A_61 : f32 to vector<2000x128xf32>
    %logistic3A_63 = arith.addf %logistic3A_62, %logistic3A_60 : vector<2000x128xf32>
    %logistic3A_64 = arith.divf %logistic3A_62, %logistic3A_63 : vector<2000x128xf32>
    %get3A_65 = arith.constant 0 : index
    %get3A_66 = arith.constant 0 : index
    %get3A_67 = vector.load %arg1[%get3A_65, %get3A_66] : memref<2000x128xf32, #tpu.memory_space<vmem>>, vector<2000x128xf32>
    %get3A_68 = arith.constant 0 : index
    %get3A_69 = arith.constant 0 : index
    %get3A_70 = vector.load %arg2[%get3A_68, %get3A_69] : memref<2000x128xf32, #tpu.memory_space<vmem>>, vector<2000x128xf32>
    %mul3A_71 = arith.mulf %get3A_67, %get3A_70 : vector<2000x128xf32>
    %iota3A = tpu.iota {dimensions = array<i32: 1>} : vector<4x128xi32>
    %iota3A_72 = tpu.iota {dimensions = array<i32: 0>} : vector<4x128xi32>
    %jit3A = arith.constant 32 : i32
    %div3A = vector.broadcast %jit3A : i32 to vector<4x128xi32>
    %div3A_73 = arith.divsi %iota3A, %div3A : vector<4x128xi32>
    %sign3A = arith.constant 0 : i32
    %sign3A_74 = vector.broadcast %sign3A : i32 to vector<4x128xi32>
    %sign3A_75 = arith.cmpi sgt, %iota3A, %sign3A_74 : vector<4x128xi32>
    %sign3A_76 = arith.extui %sign3A_75 : vector<4x128xi1> to vector<4x128xi32>
    %sign3A_77 = arith.constant 0 : i32
    %sign3A_78 = vector.broadcast %sign3A_77 : i32 to vector<4x128xi32>
    %sign3A_79 = arith.cmpi slt, %iota3A, %sign3A_78 : vector<4x128xi32>
    %sign3A_80 = arith.extui %sign3A_79 : vector<4x128xi1> to vector<4x128xi32>
    %sign3A_81 = arith.subi %sign3A_76, %sign3A_80 : vector<4x128xi32>
    %sign3A_82 = arith.constant 0 : i32
    %sign3A_83 = arith.cmpi sgt, %jit3A, %sign3A_82 : i32
    %sign3A_84 = arith.extui %sign3A_83 : i1 to i32
    %sign3A_85 = arith.constant 0 : i32
    %sign3A_86 = arith.cmpi slt, %jit3A, %sign3A_85 : i32
    %sign3A_87 = arith.extui %sign3A_86 : i1 to i32
    %sign3A_88 = arith.subi %sign3A_84, %sign3A_87 : i32
    %ne3A = vector.broadcast %sign3A_88 : i32 to vector<4x128xi32>
    %ne3A_89 = arith.cmpi ne, %sign3A_81, %ne3A : vector<4x128xi32>
    %rem3A = vector.broadcast %jit3A : i32 to vector<4x128xi32>
    %rem3A_90 = arith.remsi %iota3A, %rem3A : vector<4x128xi32>
    %ne3A_91 = arith.constant 0 : i32
    %ne3A_92 = vector.broadcast %ne3A_91 : i32 to vector<4x128xi32>
    %ne3A_93 = arith.cmpi ne, %rem3A_90, %ne3A_92 : vector<4x128xi32>
    %and3A = arith.andi %ne3A_89, %ne3A_93 : vector<4x128xi1>
    %sub3A = arith.constant 1 : i32
    %sub3A_94 = vector.broadcast %sub3A : i32 to vector<4x128xi32>
    %sub3A_95 = arith.subi %div3A_73, %sub3A_94 : vector<4x128xi32>
    %select_n3A = arith.select %and3A, %sub3A_95, %div3A_73 : vector<4x128xi1>, vector<4x128xi32>
    %eq3A = arith.cmpi eq, %select_n3A, %iota3A_72 : vector<4x128xi32>
    %convert_element_type3A = arith.extui %eq3A : vector<4x128xi1> to vector<4x128xi32>
    %convert_element_type3A_96 = arith.sitofp %convert_element_type3A : vector<4x128xi32> to vector<4x128xf32>
    %transpose3A = tpu.transpose %convert_element_type3A_96, [1, 0] : vector<4x128xf32> -> vector<128x4xf32>
    %dot_general3A_97 = arith.constant dense<0.000000e+00> : vector<2000x4xf32>
    %dot_general3A_98 = tpu.matmul %mul3A_71, %transpose3A, %dot_general3A_97 {dimension_numbers = #tpu.dot_dimension_numbers<[1], [0], [0], [1], [0, 0, 1, 1], [], []>, transpose_lhs_hint = false} : vector<2000x128xf32>, vector<128x4xf32>, vector<2000x4xf32> -> vector<2000x4xf32>
    %mul3A_99 = arith.constant 0.176776692 : f32
    %mul3A_100 = vector.broadcast %mul3A_99 : f32 to vector<2000x4xf32>
    %mul3A_101 = arith.mulf %dot_general3A_98, %mul3A_100 : vector<2000x4xf32>
    %add3A_102 = arith.addf %mul3A_101, %add3A_28 : vector<2000x4xf32>
    %exp3A = math.exp %add3A_102 : vector<2000x4xf32>
    %dot_general3A_103 = arith.constant dense<0.000000e+00> : vector<2000x128xf32>
    %dot_general3A_104 = tpu.matmul %exp3A, %convert_element_type3A_96, %dot_general3A_103 {dimension_numbers = #tpu.dot_dimension_numbers<[1], [0], [0], [1], [0, 0, 1, 1], [], []>, transpose_lhs_hint = false} : vector<2000x4xf32>, vector<4x128xf32>, vector<2000x128xf32> -> vector<2000x128xf32>
    %mul3A_105 = arith.mulf %dot_general3A_104, %logistic3A_64 : vector<2000x128xf32>
    %get3A_106 = arith.constant 0 : index
    %get3A_107 = arith.constant 0 : index
    %get3A_108 = vector.load %arg3[%get3A_106, %get3A_107] : memref<2000x128xf32, #tpu.memory_space<vmem>>, vector<2000x128xf32>
    %mul3A_109 = arith.mulf %mul3A_105, %get3A_108 : vector<2000x128xf32>
    %swap3A = arith.constant 0 : index
    %swap3A_110 = arith.constant 0 : index
    %swap3A_111 = vector.load %arg13[%swap3A, %swap3A_110] : memref<2000x128xf32, #tpu.memory_space<vmem>>, vector<2000x128xf32>
    tpu.vector_store %arg13[%swap3A, %swap3A_110], %mul3A_109 {strides = array<i32>} : memref<2000x128xf32, #tpu.memory_space<vmem>>, vector<2000x128xf32>,
    %swap3A_112 = arith.constant 0 : index
    %swap3A_113 = arith.constant 0 : index
    %swap3A_114 = vector.load %arg14[%swap3A_112, %swap3A_113] : memref<2000x128xf32, #tpu.memory_space<vmem>>, vector<2000x128xf32>
    tpu.vector_store %arg14[%swap3A_112, %swap3A_113], %dot_general3A_104 {strides = array<i32>} : memref<2000x128xf32, #tpu.memory_space<vmem>>, vector<2000x128xf32>,
    return
  }
  func.func @transform_0(%arg0: i32) -> (i32, i32) {
    %c0_i32 = arith.constant 0 : i32
    %c0_i32_0 = arith.constant 0 : i32
    return %arg0, %c0_i32 : i32, i32
  }
  func.func @transform_1(%arg0: i32) -> (i32, i32) {
    %c0_i32 = arith.constant 0 : i32
    %c0_i32_0 = arith.constant 0 : i32
    return %arg0, %c0_i32 : i32, i32
  }
  func.func @transform_2(%arg0: i32) -> (i32, i32) {
    %c0_i32 = arith.constant 0 : i32
    %c0_i32_0 = arith.constant 0 : i32
    return %arg0, %c0_i32 : i32, i32
  }
  func.func @transform_3(%arg0: i32) -> (i32, i32) {
    %c0_i32 = arith.constant 0 : i32
    %c0_i32_0 = arith.constant 0 : i32
    return %arg0, %c0_i32 : i32, i32
  }
  func.func @transform_4(%arg0: i32) -> (i32, i32) {
    %c0_i32 = arith.constant 0 : i32
    %c0_i32_0 = arith.constant 0 : i32
    %c0_i32_1 = arith.constant 0 : i32
    return %c0_i32, %c0_i32_0 : i32, i32
  }
  func.func @transform_5(%arg0: i32) -> (i32, i32) {
    %c0_i32 = arith.constant 0 : i32
    %c0_i32_0 = arith.constant 0 : i32
    %c0_i32_1 = arith.constant 0 : i32
    return %c0_i32, %c0_i32_0 : i32, i32
  }
  func.func @transform_6(%arg0: i32) -> (i32, i32) {
    %c0_i32 = arith.constant 0 : i32
    %c0_i32_0 = arith.constant 0 : i32
    %c0_i32_1 = arith.constant 0 : i32
    return %c0_i32, %c0_i32_0 : i32, i32
  }
  func.func @transform_7(%arg0: i32) -> (i32, i32) {
    %c0_i32 = arith.constant 0 : i32
    %c0_i32_0 = arith.constant 0 : i32
    %c0_i32_1 = arith.constant 0 : i32
    return %c0_i32, %c0_i32_0 : i32, i32
  }
  func.func @transform_8(%arg0: i32) -> (i32, i32) {
    %c0_i32 = arith.constant 0 : i32
    %c0_i32_0 = arith.constant 0 : i32
    %c0_i32_1 = arith.constant 0 : i32
    return %c0_i32, %c0_i32_0 : i32, i32
  }
  func.func @transform_9(%arg0: i32) -> (i32, i32) {
    %c0_i32 = arith.constant 0 : i32
    %c0_i32_0 = arith.constant 0 : i32
    %c0_i32_1 = arith.constant 0 : i32
    return %c0_i32, %c0_i32_0 : i32, i32
  }
  func.func @transform_10(%arg0: i32) -> (i32, i32) {
    %c0_i32 = arith.constant 0 : i32
    %c0_i32_0 = arith.constant 0 : i32
    %c0_i32_1 = arith.constant 0 : i32
    return %c0_i32, %c0_i32_0 : i32, i32
  }
  func.func @transform_11(%arg0: i32) -> (i32, i32) {
    %c0_i32 = arith.constant 0 : i32
    %c0_i32_0 = arith.constant 0 : i32
    %c0_i32_1 = arith.constant 0 : i32
    return %c0_i32, %c0_i32_0 : i32, i32
  }
  func.func @transform_12(%arg0: i32) -> (i32, i32) {
    %c0_i32 = arith.constant 0 : i32
    %c0_i32_0 = arith.constant 0 : i32
    return %arg0, %c0_i32 : i32, i32
  }
  func.func @transform_13(%arg0: i32) -> (i32, i32) {
    %c0_i32 = arith.constant 0 : i32
    %c0_i32_0 = arith.constant 0 : i32
    return %arg0, %c0_i32 : i32, i32
  }
}

module attributes {stable_mosaic.version = 14 : i64} {
  func.func @_final_body(%arg0: i32, %arg1: memref<1000x128xf32, #tpu.memory_space<vmem>>, %arg2: memref<1000x128xf32, #tpu.memory_space<vmem>>, %arg3: memref<1000x128xf32, #tpu.memory_space<vmem>>, %arg4: memref<128x128xf32, #tpu.memory_space<vmem>>, %arg5: memref<1x128xf32, #tpu.memory_space<vmem>>, %arg6: memref<1x128xf32, #tpu.memory_space<vmem>>, %arg7: memref<1x128xf32, #tpu.memory_space<vmem>>, %arg8: memref<1x128xf32, #tpu.memory_space<vmem>>, %arg9: memref<1x128xf32, #tpu.memory_space<vmem>>, %arg10: memref<128x256xf32, #tpu.memory_space<vmem>>, %arg11: memref<1x256xf32, #tpu.memory_space<vmem>>, %arg12: memref<256x128xf32, #tpu.memory_space<vmem>>, %arg13: memref<1x128xf32, #tpu.memory_space<vmem>>, %arg14: memref<1000x128xf32, #tpu.memory_space<vmem>>) attributes {dimension_semantics = [#tpu.dimension_semantics<arbitrary>], iteration_bounds = array<i64: 10>, scalar_prefetch = 0 : i64, scratch_operands = 0 : i64, tpu.core_type = #tpu.core_type<tc>, window_params = [{transform_indices = @transform_0, window_bounds = array<i64: 1000, 128>}, {transform_indices = @transform_1, window_bounds = array<i64: 1000, 128>}, {transform_indices = @transform_2, window_bounds = array<i64: 1000, 128>}, {pipeline_mode = #tpu.pipeline_mode<synchronous>, transform_indices = @transform_3, window_bounds = array<i64: 128, 128>}, {pipeline_mode = #tpu.pipeline_mode<synchronous>, transform_indices = @transform_4, window_bounds = array<i64: 1, 128>}, {pipeline_mode = #tpu.pipeline_mode<synchronous>, transform_indices = @transform_5, window_bounds = array<i64: 1, 128>}, {pipeline_mode = #tpu.pipeline_mode<synchronous>, transform_indices = @transform_6, window_bounds = array<i64: 1, 128>}, {pipeline_mode = #tpu.pipeline_mode<synchronous>, transform_indices = @transform_7, window_bounds = array<i64: 1, 128>}, {pipeline_mode = #tpu.pipeline_mode<synchronous>, transform_indices = @transform_8, window_bounds = array<i64: 1, 128>}, {pipeline_mode = #tpu.pipeline_mode<synchronous>, transform_indices = @transform_9, window_bounds = array<i64: 128, 256>}, {pipeline_mode = #tpu.pipeline_mode<synchronous>, transform_indices = @transform_10, window_bounds = array<i64: 1, 256>}, {pipeline_mode = #tpu.pipeline_mode<synchronous>, transform_indices = @transform_11, window_bounds = array<i64: 256, 128>}, {pipeline_mode = #tpu.pipeline_mode<synchronous>, transform_indices = @transform_12, window_bounds = array<i64: 1, 128>}, {transform_indices = @transform_13, window_bounds = array<i64: 1000, 128>}]} {
    %get3A = arith.constant 0 : index
    %get3A_0 = arith.constant 0 : index
    %get3A_1 = vector.load %arg1[%get3A, %get3A_0] : memref<1000x128xf32, #tpu.memory_space<vmem>>, vector<1000x128xf32>
    %get3A_2 = arith.constant 0 : index
    %get3A_3 = arith.constant 0 : index
    %get3A_4 = vector.load %arg2[%get3A_2, %get3A_3] : memref<1000x128xf32, #tpu.memory_space<vmem>>, vector<1000x128xf32>
    %add3A = arith.constant 1.000000e-10 : f32
    %add3A_5 = vector.broadcast %add3A : f32 to vector<1000x128xf32>
    %add3A_6 = arith.addf %get3A_4, %add3A_5 : vector<1000x128xf32>
    %div3A = arith.divf %get3A_1, %add3A_6 : vector<1000x128xf32>
    %get3A_7 = arith.constant 0 : index
    %get3A_8 = arith.constant 0 : index
    %get3A_9 = vector.load %arg4[%get3A_7, %get3A_8] : memref<128x128xf32, #tpu.memory_space<vmem>>, vector<128x128xf32>
    %dot_general3A = arith.constant dense<0.000000e+00> : vector<1000x128xf32>
    %dot_general3A_10 = tpu.matmul %div3A, %get3A_9, %dot_general3A {dimension_numbers = #tpu.dot_dimension_numbers<[1], [0], [0], [1], [0, 0, 1, 1], [], []>, transpose_lhs_hint = false} : vector<1000x128xf32>, vector<128x128xf32>, vector<1000x128xf32> -> vector<1000x128xf32>
    %get3A_11 = arith.constant 0 : index
    %get3A_12 = arith.constant 0 : index
    %get3A_13 = vector.load %arg5[%get3A_11, %get3A_12] : memref<1x128xf32, #tpu.memory_space<vmem>>, vector<1x128xf32>
    %add3A_14 = vector.broadcast %get3A_13 : vector<1x128xf32> to vector<1000x128xf32>
    %add3A_15 = arith.addf %dot_general3A_10, %add3A_14 : vector<1000x128xf32>
    %get3A_16 = arith.constant 0 : index
    %get3A_17 = arith.constant 0 : index
    %get3A_18 = vector.load %arg6[%get3A_16, %get3A_17] : memref<1x128xf32, #tpu.memory_space<vmem>>, vector<1x128xf32>
    %mul3A = vector.broadcast %get3A_18 : vector<1x128xf32> to vector<1000x128xf32>
    %mul3A_19 = arith.mulf %mul3A, %add3A_15 : vector<1000x128xf32>
    %get3A_20 = arith.constant 0 : index
    %get3A_21 = arith.constant 0 : index
    %get3A_22 = vector.load %arg7[%get3A_20, %get3A_21] : memref<1x128xf32, #tpu.memory_space<vmem>>, vector<1x128xf32>
    %add3A_23 = vector.broadcast %get3A_22 : vector<1x128xf32> to vector<1000x128xf32>
    %add3A_24 = arith.addf %mul3A_19, %add3A_23 : vector<1000x128xf32>
    %get3A_25 = arith.constant 0 : index
    %get3A_26 = arith.constant 0 : index
    %get3A_27 = vector.load %arg3[%get3A_25, %get3A_26] : memref<1000x128xf32, #tpu.memory_space<vmem>>, vector<1000x128xf32>
    %add3A_28 = arith.addf %get3A_27, %add3A_24 : vector<1000x128xf32>
    %get3A_29 = arith.constant 0 : index
    %get3A_30 = arith.constant 0 : index
    %get3A_31 = vector.load %arg8[%get3A_29, %get3A_30] : memref<1x128xf32, #tpu.memory_space<vmem>>, vector<1x128xf32>
    %get3A_32 = arith.constant 0 : index
    %get3A_33 = arith.constant 0 : index
    %get3A_34 = vector.load %arg9[%get3A_32, %get3A_33] : memref<1x128xf32, #tpu.memory_space<vmem>>, vector<1x128xf32>
    %reduce_sum3A = arith.constant dense<0.000000e+00> : vector<1000xf32>
    %reduce_sum3A_35 = vector.multi_reduction <add>, %add3A_28, %reduce_sum3A [1] : vector<1000x128xf32> to vector<1000xf32>
    %broadcast_in_dim3A = vector.shape_cast %reduce_sum3A_35 : vector<1000xf32> to vector<1000x1xf32>
    %div3A_36 = arith.constant 1.280000e+02 : f32
    %div3A_37 = vector.broadcast %div3A_36 : f32 to vector<1000x1xf32>
    %div3A_38 = arith.divf %broadcast_in_dim3A, %div3A_37 : vector<1000x1xf32>
    %sub3A = vector.broadcast %div3A_38 : vector<1000x1xf32> to vector<1000x128xf32>
    %sub3A_39 = arith.subf %add3A_28, %sub3A : vector<1000x128xf32>
    %integer_pow3A = arith.mulf %sub3A_39, %sub3A_39 : vector<1000x128xf32>
    %reduce_sum3A_40 = arith.constant dense<0.000000e+00> : vector<1000xf32>
    %reduce_sum3A_41 = vector.multi_reduction <add>, %integer_pow3A, %reduce_sum3A_40 [1] : vector<1000x128xf32> to vector<1000xf32>
    %broadcast_in_dim3A_42 = vector.shape_cast %reduce_sum3A_41 : vector<1000xf32> to vector<1000x1xf32>
    %div3A_43 = arith.constant 1.280000e+02 : f32
    %div3A_44 = vector.broadcast %div3A_43 : f32 to vector<1000x1xf32>
    %div3A_45 = arith.divf %broadcast_in_dim3A_42, %div3A_44 : vector<1000x1xf32>
    %sub3A_46 = vector.broadcast %div3A_38 : vector<1000x1xf32> to vector<1000x128xf32>
    %sub3A_47 = arith.subf %add3A_28, %sub3A_46 : vector<1000x128xf32>
    %add3A_48 = arith.constant 9.99999974E-6 : f32
    %add3A_49 = vector.broadcast %add3A_48 : f32 to vector<1000x1xf32>
    %add3A_50 = arith.addf %div3A_45, %add3A_49 : vector<1000x1xf32>
    %sqrt3A = math.sqrt %add3A_50 : vector<1000x1xf32>
    %div3A_51 = vector.broadcast %sqrt3A : vector<1000x1xf32> to vector<1000x128xf32>
    %div3A_52 = arith.divf %sub3A_47, %div3A_51 : vector<1000x128xf32>
    %mul3A_53 = vector.broadcast %get3A_31 : vector<1x128xf32> to vector<1000x128xf32>
    %mul3A_54 = arith.mulf %div3A_52, %mul3A_53 : vector<1000x128xf32>
    %add3A_55 = vector.broadcast %get3A_34 : vector<1x128xf32> to vector<1000x128xf32>
    %add3A_56 = arith.addf %mul3A_54, %add3A_55 : vector<1000x128xf32>
    %get3A_57 = arith.constant 0 : index
    %get3A_58 = arith.constant 0 : index
    %get3A_59 = vector.load %arg10[%get3A_57, %get3A_58] : memref<128x256xf32, #tpu.memory_space<vmem>>, vector<128x256xf32>
    %dot_general3A_60 = arith.constant dense<0.000000e+00> : vector<1000x256xf32>
    %dot_general3A_61 = tpu.matmul %add3A_56, %get3A_59, %dot_general3A_60 {dimension_numbers = #tpu.dot_dimension_numbers<[1], [0], [0], [1], [0, 0, 1, 1], [], []>, transpose_lhs_hint = false} : vector<1000x128xf32>, vector<128x256xf32>, vector<1000x256xf32> -> vector<1000x256xf32>
    %get3A_62 = arith.constant 0 : index
    %get3A_63 = arith.constant 0 : index
    %get3A_64 = vector.load %arg11[%get3A_62, %get3A_63] : memref<1x256xf32, #tpu.memory_space<vmem>>, vector<1x256xf32>
    %add3A_65 = vector.broadcast %get3A_64 : vector<1x256xf32> to vector<1000x256xf32>
    %add3A_66 = arith.addf %dot_general3A_61, %add3A_65 : vector<1000x256xf32>
    %mul3A_67 = arith.constant 5.000000e-01 : f32
    %mul3A_68 = vector.broadcast %mul3A_67 : f32 to vector<1000x256xf32>
    %mul3A_69 = arith.mulf %mul3A_68, %add3A_66 : vector<1000x256xf32>
    %mul3A_70 = arith.constant 0.707106769 : f32
    %mul3A_71 = vector.broadcast %mul3A_70 : f32 to vector<1000x256xf32>
    %mul3A_72 = arith.mulf %add3A_66, %mul3A_71 : vector<1000x256xf32>
    %erf3A = math.erf %mul3A_72 : vector<1000x256xf32>
    %add3A_73 = arith.constant 1.000000e+00 : f32
    %add3A_74 = vector.broadcast %add3A_73 : f32 to vector<1000x256xf32>
    %add3A_75 = arith.addf %add3A_74, %erf3A : vector<1000x256xf32>
    %mul3A_76 = arith.mulf %mul3A_69, %add3A_75 : vector<1000x256xf32>
    %get3A_77 = arith.constant 0 : index
    %get3A_78 = arith.constant 0 : index
    %get3A_79 = vector.load %arg12[%get3A_77, %get3A_78] : memref<256x128xf32, #tpu.memory_space<vmem>>, vector<256x128xf32>
    %dot_general3A_80 = arith.constant dense<0.000000e+00> : vector<1000x128xf32>
    %dot_general3A_81 = tpu.matmul %mul3A_76, %get3A_79, %dot_general3A_80 {dimension_numbers = #tpu.dot_dimension_numbers<[1], [0], [0], [1], [0, 0, 1, 1], [], []>, transpose_lhs_hint = false} : vector<1000x256xf32>, vector<256x128xf32>, vector<1000x128xf32> -> vector<1000x128xf32>
    %get3A_82 = arith.constant 0 : index
    %get3A_83 = arith.constant 0 : index
    %get3A_84 = vector.load %arg13[%get3A_82, %get3A_83] : memref<1x128xf32, #tpu.memory_space<vmem>>, vector<1x128xf32>
    %add3A_85 = vector.broadcast %get3A_84 : vector<1x128xf32> to vector<1000x128xf32>
    %add3A_86 = arith.addf %dot_general3A_81, %add3A_85 : vector<1000x128xf32>
    %add3A_87 = arith.addf %add3A_28, %add3A_86 : vector<1000x128xf32>
    %swap3A = arith.constant 0 : index
    %swap3A_88 = arith.constant 0 : index
    %swap3A_89 = vector.load %arg14[%swap3A, %swap3A_88] : memref<1000x128xf32, #tpu.memory_space<vmem>>, vector<1000x128xf32>
    tpu.vector_store %arg14[%swap3A, %swap3A_88], %add3A_87 {strides = array<i32>} : memref<1000x128xf32, #tpu.memory_space<vmem>>, vector<1000x128xf32>,
    return
  }
  func.func @transform_0(%arg0: i32) -> (i32, i32) {
    %c0_i32 = arith.constant 0 : i32
    %c0_i32_0 = arith.constant 0 : i32
    return %arg0, %c0_i32 : i32, i32
  }
  func.func @transform_1(%arg0: i32) -> (i32, i32) {
    %c0_i32 = arith.constant 0 : i32
    %c0_i32_0 = arith.constant 0 : i32
    return %arg0, %c0_i32 : i32, i32
  }
  func.func @transform_2(%arg0: i32) -> (i32, i32) {
    %c0_i32 = arith.constant 0 : i32
    %c0_i32_0 = arith.constant 0 : i32
    return %arg0, %c0_i32 : i32, i32
  }
  func.func @transform_3(%arg0: i32) -> (i32, i32) {
    %c0_i32 = arith.constant 0 : i32
    %c0_i32_0 = arith.constant 0 : i32
    %c0_i32_1 = arith.constant 0 : i32
    return %c0_i32, %c0_i32_0 : i32, i32
  }
  func.func @transform_4(%arg0: i32) -> (i32, i32) {
    %c0_i32 = arith.constant 0 : i32
    %c0_i32_0 = arith.constant 0 : i32
    %c0_i32_1 = arith.constant 0 : i32
    return %c0_i32, %c0_i32_0 : i32, i32
  }
  func.func @transform_5(%arg0: i32) -> (i32, i32) {
    %c0_i32 = arith.constant 0 : i32
    %c0_i32_0 = arith.constant 0 : i32
    %c0_i32_1 = arith.constant 0 : i32
    return %c0_i32, %c0_i32_0 : i32, i32
  }
  func.func @transform_6(%arg0: i32) -> (i32, i32) {
    %c0_i32 = arith.constant 0 : i32
    %c0_i32_0 = arith.constant 0 : i32
    %c0_i32_1 = arith.constant 0 : i32
    return %c0_i32, %c0_i32_0 : i32, i32
  }
  func.func @transform_7(%arg0: i32) -> (i32, i32) {
    %c0_i32 = arith.constant 0 : i32
    %c0_i32_0 = arith.constant 0 : i32
    %c0_i32_1 = arith.constant 0 : i32
    return %c0_i32, %c0_i32_0 : i32, i32
  }
  func.func @transform_8(%arg0: i32) -> (i32, i32) {
    %c0_i32 = arith.constant 0 : i32
    %c0_i32_0 = arith.constant 0 : i32
    %c0_i32_1 = arith.constant 0 : i32
    return %c0_i32, %c0_i32_0 : i32, i32
  }
  func.func @transform_9(%arg0: i32) -> (i32, i32) {
    %c0_i32 = arith.constant 0 : i32
    %c0_i32_0 = arith.constant 0 : i32
    %c0_i32_1 = arith.constant 0 : i32
    return %c0_i32, %c0_i32_0 : i32, i32
  }
  func.func @transform_10(%arg0: i32) -> (i32, i32) {
    %c0_i32 = arith.constant 0 : i32
    %c0_i32_0 = arith.constant 0 : i32
    %c0_i32_1 = arith.constant 0 : i32
    return %c0_i32, %c0_i32_0 : i32, i32
  }
  func.func @transform_11(%arg0: i32) -> (i32, i32) {
    %c0_i32 = arith.constant 0 : i32
    %c0_i32_0 = arith.constant 0 : i32
    %c0_i32_1 = arith.constant 0 : i32
    return %c0_i32, %c0_i32_0 : i32, i32
  }
  func.func @transform_12(%arg0: i32) -> (i32, i32) {
    %c0_i32 = arith.constant 0 : i32
    %c0_i32_0 = arith.constant 0 : i32
    %c0_i32_1 = arith.constant 0 : i32
    return %c0_i32, %c0_i32_0 : i32, i32
  }
  func.func @transform_13(%arg0: i32) -> (i32, i32) {
    %c0_i32 = arith.constant 0 : i32
    %c0_i32_0 = arith.constant 0 : i32
    return %arg0, %c0_i32 : i32, i32
  }
}

</mosaic_0001>

<sc_bundles>
// kernel: kernel.10.cloned.1.call-start
scs
__scs_entry_jumppad:
0x0: {  	(pc) =	sbr.rel $0x88, $3  }
0x1: {  	(tag) =	ssettag $0x0;
	lr =	simm.s32 $0x1  }
0x2: {  	[smem:$0x3F87] =	sst lr;
	_ =	strace $0xD0000000  }
0x3: {  	_ = 	snop  }
0x4: {  	_ = 	snop  }
0x5: {  	_ = 	snop  }
0x6: {  	_ = 	snop  }
0x7: {  	_ = 	snop  }
__scs_overlays_trampoline_lowered:
0x8: {  	[smem:$0x3F96] =	sst s0  }
0x9: {  	[smem:$0x3F97] =	sst s1  }
0xa: {  	[smem:$0x3F98] =	sst s2  }
0xb: {  	[smem:$0x3F99] =	sst s3  }
0xc: {  	[smem:$0x3F9A] =	sst s4  }
0xd: {  	[smem:$0x3F9B] =	sst s5  }
0xe: {  	[smem:$0x3F9C] =	sst s6  }
0xf: {  	[smem:$0x3F9D] =	sst s7  }
0x10: {  	[smem:$0x3F9E] =	sst s8  }
0x11: {  	[smem:$0x3F9F] =	sst s9;
	s0 =	simm.s32 @!p0 $0x0  }
0x12: {  	s1 =	sld [smem:$0x3F85];
	s0 =	simm.s32 @p0 $0x1  }
0x13: {  	[smem:$0x3FA0] =	sst s0;
	s0 =	simm.s32 @!p1 $0x0  }
0x14: {  	s2 =	sld [smem:$0x3F84];
	s0 =	simm.s32 @p1 $0x1  }
0x15: {  	[smem:$0x3FA1] =	sst s0;
	s0 =	simm.s32 @!p2 $0x0  }
0x16: {  	s3 =	sld [smem:$0x3FDB];
	s0 =	simm.s32 @p2 $0x1  }
0x17: {  	s4 =	simm.s32 $0x1BF5;
	[smem:$0x3FA3] =	sst s0  }
0x18: {  	s0 =	sld [smem:$0x3F86];
	_ =	swait.ge [sflag:s4], $0x0  }
0x19: {  	s7 =	sld [smem:$0x3F87]  }
0x1a: {  	s8 =	sadd.s32 $0xFFFFE003, lr  }
0x1b: {  	s9 =	sadd.s32 $0xFFFFFEF7, lr;
	s5 =	simm.s32 $0xFFFFFFFF;
	p2 =	slt.u32 s8, $0xFFFFF086  }
0x1c: {  	p1 =	slt.u32 s9, $0xF7A;
	s5 =	simm.s32 @!p2 $0x0  }
0x1d: {  	s5 =	simm.s32 @p1 $0x1;
	p0 =	seq.s32 s7, s2  }
0x1e: {  	s7 =	smul.u32 @!p0 $0xF7A, s2;
	p2 =	seq.s32 @!p0 s5, $0x0  }
0x1f: {  	s9 =	smul.u32 $0xF7A, s1;
	s8 =	simm.s32 @!p0 $0x1BF5;
	p2 =	por !p2, p0  }
0x20: {  	[sflag:s8] =	ssyncset.s32 @!p0 $0xFFFFF086;
	s6 =	sadd.s32 @!p0 s3, s7;
	s7 =	simm.s32 @!p0 $0x108  }
0x21: {  	s3 =	sadd.s32 s3, s9;
	s6 =	sadd.s32 @!p0 $0x88, s6;
	s7 =	simm.s32 @p2 $0x1082  }
0x22: {  	[simem:s7], [sflag:s8] =	dma.local @!p0 [hbm:s6], $0xF7A  }
0x23: {  	s9 =	sor.u32 $0xD0000000, s2;
	s6 =	simm.s32 $0x108;
	_ =	swait.ge @!p0 [sflag:s8], $0x0  }
0x24: {  	s3 =	sadd.s32 $0x88, s3;
	s6 =	simm.s32 @!p1 $0x1082;
	[sflag:s4] =	ssyncset.s32 $0xFFFFF086  }
0x25: {  	[simem:s6], [sflag:s4] =	dma.local [hbm:s3], $0xF7A  }
0x26: {  	[smem:$0x3F87] =	sst s1;
	(tag) =	ssettag s2;
	_ =	strace s9  }
0x27: {  	s1 =	sld [smem:$0x3F97]  }
0x28: {  	s2 =	sld [smem:$0x3F98]  }
0x29: {  	s4 =	sld [smem:$0x3F9A]  }
0x2a: {  	p0 =	seq.s32 s5, $0x0;
	s5 =	sld [smem:$0x3F9B]  }
0x2b: {  	s6 =	sld [smem:$0x3F9C]  }
0x2c: {  	s7 =	sld [smem:$0x3F9D]  }
0x2d: {  	s3 =	simm.s32 $0x108;
	s8 =	sld [smem:$0x3F9E]  }
0x2e: {  	s3 =	simm.s32 @!p0 $0x1082;
	s9 =	sld [smem:$0x3F9F]  }
0x2f: {  	lr =	sadd.s32 s0, s3;
	s0 =	sld [smem:$0x3F96]  }
0x30: {  	s3 =	sld [smem:$0x3F99]  }
0x31: {  	[smem:$0x3FA2] =	sst s10  }
0x32: {  	s10 =	sld [smem:$0x3FA0];
	_ =	sdelay $0x3  }
0x33: {  	p0 =	seq.s32 s10, $0x1;
	s10 =	sld [smem:$0x3FA2];
	_ =	sdelay $0x3  }
0x34: {  	[smem:$0x3FA2] =	sst s10  }
0x35: {  	s10 =	sld [smem:$0x3FA1];
	_ =	sdelay $0x3  }
0x36: {  	p1 =	seq.s32 s10, $0x1;
	s10 =	sld [smem:$0x3FA2];
	_ =	sdelay $0x3  }
0x37: {  	[smem:$0x3FA2] =	sst s10  }
0x38: {  	s10 =	sld [smem:$0x3FA3]  }
0x39: {  	_ = 	snop;
	(pc) =	sbr.ind lr, $3  }
0x3a: {  	_ = 	snop  }
0x3b: {  	_ = 	snop  }
0x3c: {  	p2 =	seq.s32 s10, $0x1;
	s10 =	sld [smem:$0x3FA2]  }
0x3d: {  	_ =	shalt  }
0x3e: {  	_ =	shalt  }
0x3f: {  	_ =	shalt  }
0x40: {  	_ =	shalt  }
0x41: {  	_ =	shalt  }
0x42: {  	_ =	shalt  }
0x43: {  	_ =	shalt  }
0x44: {  	_ =	shalt  }
0x45: {  	_ =	shalt  }
0x46: {  	_ =	shalt  }
0x47: {  	_ =	shalt  }
0x48: {  	_ =	shalt  }
0x49: {  	_ =	shalt  }
0x4a: {  	_ =	shalt  }
0x4b: {  	_ =	shalt  }
0x4c: {  	_ =	shalt  }
0x4d: {  	_ =	shalt  }
0x4e: {  	_ =	shalt  }
0x4f: {  	_ =	shalt  }
0x50: {  	_ =	shalt  }
0x51: {  	_ =	shalt  }
0x52: {  	_ =	shalt  }
0x53: {  	_ =	shalt  }
0x54: {  	_ =	shalt  }
0x55: {  	_ =	shalt  }
0x56: {  	_ =	shalt  }
0x57: {  	_ =	shalt  }
0x58: {  	_ =	shalt  }
0x59: {  	_ =	shalt  }
0x5a: {  	_ =	shalt  }
0x5b: {  	_ =	shalt  }
0x5c: {  	_ =	shalt  }
0x5d: {  	_ =	shalt  }
0x5e: {  	_ =	shalt  }
0x5f: {  	_ =	shalt  }
0x60: {  	_ =	shalt  }
0x61: {  	_ =	shalt  }
0x62: {  	_ =	shalt  }
0x63: {  	_ =	shalt  }
0x64: {  	_ =	shalt  }
0x65: {  	_ =	shalt  }
0x66: {  	_ =	shalt  }
0x67: {  	_ =	shalt  }
0x68: {  	_ =	shalt  }
0x69: {  	_ =	shalt  }
0x6a: {  	_ =	shalt  }
0x6b: {  	_ =	shalt  }
0x6c: {  	_ =	shalt  }
0x6d: {  	_ =	shalt  }
0x6e: {  	_ =	shalt  }
0x6f: {  	_ =	shalt  }
0x70: {  	_ =	shalt  }
0x71: {  	_ =	shalt  }
0x72: {  	_ =	shalt  }
0x73: {  	_ =	shalt  }
0x74: {  	_ =	shalt  }
0x75: {  	_ =	shalt  }
0x76: {  	_ =	shalt  }
0x77: {  	_ =	shalt  }
0x78: {  	_ =	shalt  }
0x79: {  	_ =	shalt  }
0x7a: {  	_ =	shalt  }
0x7b: {  	_ =	shalt  }
0x7c: {  	_ =	shalt  }
0x7d: {  	_ =	shalt  }
0x7e: {  	_ =	shalt  }
0x7f: {  	_ =	shalt  }
0x80: {  	_ =	shalt  }
0x81: {  	_ =	shalt  }
0x82: {  	_ =	shalt  }
0x83: {  	_ =	shalt  }
0x84: {  	_ =	shalt  }
0x85: {  	_ =	shalt  }
0x86: {  	_ =	shalt  }
0x87: {  	_ =	shalt  }
.Lfunc_end0:
.L_simem_size_0:
called_computation.1_lowered:
.L_overlay_start_0:
0x88: {  	s2 =	sld [smem:$0x3FD9]  }
0x89: {  	s3 =	sld [smem:$0x3FFE];
	_ =	sdelay $0x1  }
0x8a: {  	s1 =	srdreg.scid  }
0x8b: {  	s0 =	sand.u32 $0x1, s1  }
0x8c: {  	s16 =	sshll.u32 s0, $0xA;
	s2 =	sadd.s32 s3, s2  }
0x8d: {  	s2 =	sadd.s32 s2, s16  }
0x8e: {  	[smem:$0x3FAE] =	sst s2  }
0x8f: {  	_ = 	snop  }
0x90: {  	(tm) =	ssettm $0x1  }
0x91: {  	s17 =	sld [smem:$0x3FFB];
	_ =	sdelay $0x3  }
0x92: {  	_ =	strace s17  }
0x93: {  	s2 =	sld [smem:$0x3FFC];
	_ =	sdelay $0x3  }
0x94: {  	_ =	strace s2  }
0x95: {  	s2 =	sld [smem:$0x3FFD];
	_ =	sdelay $0x3  }
0x96: {  	_ =	strace s2  }
0x97: {  	_ =	strace $0x8FFFFFFF  }
0x98: {  	s18 =	sld [smem:$0x3FDB];
	_ =	sdelay $0x1  }
0x99: {  	s19 =	simm.s32 $_scs_section_size  }
0x9a: {  	s4 =	simm.s32 $_size__tile_overlayer_lowered;
	s5 =	simm.s32 $_tile_overlayer_lowered  }
0x9b: {  	s22 =	simm.s32 $0x1BFF;
	s21 =	sshll.u32 s5, $0x1;
	s2 =	sadd.s32 s19, s18  }
0x9c: {  	s6 =	simm.s32 $0x0;
	s20 =	sshll.u32 s4, $0x1;
	s4 =	sadd.s32 s21, s2  }
0x9d: {  	[timem:s6], [sflag:s22] =	dma.local [hbm:s4], s20  }
0x9e: {  	_ =	swait.ge [sflag:s22], s20  }
0x9f: {  	s3 =	ssub.s32 $0x0, s20;
	[sflag:s22] =	ssyncset.done $0x0  }
0xa0: {  	[sflag:s22] =	ssyncadd.s32 s3;
	_ =	sdelay $0x1  }
0xa1: {  	s23 =	simm.s32 $0x1B8B  }
0xa2: {  	_ =	swait.ge [sflag:s23], $0x1  }
0xa3: {  	[sflag:s23] =	ssyncset.done $0x0  }
0xa4: {  	s25 =	simm.s32 $0x1B8E;
	s24 =	sld [smem:$0x3FFE];
	[sflag:s23] =	ssyncadd.s32 $0xFFFFFFFF  }
0xa5: {  	s26 =	simm.s32 $execute0_lowered;
	[smem:$0x3FD2] =	sst s25  }
0xa6: {  	s4 =	sshll.u32 s26, $0x1;
	_ =	strace $0x80000049;
	[dreg:$0x1] =	wrdreg $0xFFFFFFFF  }
0xa7: {  	s28 =	simm.s32 $_size_execute0_lowered;
	s2 =	sadd.s32 s2, s4;
	[dreg:$0x0] =	wrdreg $0x0  }
0xa8: {  	s4 =	sshll.u32 s28, $0x1;
	[dreg:$0x2] =	wrdreg s2  }
0xa9: {  	[dreg:$0x3] =	wrdreg s4  }
0xaa: {  	[dreg:$0x4] =	wrdreg $0xC0  }
0xab: {  	_ =	task [dreg:s6], $0x5FFFF  }
0xac: {  	[dreg:$0x1] =	wrdreg $0xFFFFFFFF  }
0xad: {  	[dreg:$0x0] =	wrdreg $0x60  }
0xae: {  	[dreg:$0x2] =	wrdreg s24  }
0xaf: {  	[dreg:$0x3] =	wrdreg $0x0  }
0xb0: {  	[dreg:$0x4] =	wrdreg $0xA2000  }
0xb1: {  	[dreg:$0x5] =	wrdreg $0x9  }
0xb2: {  	_ =	task.clear_ibuf [dreg:s6], $0x6FFFF;
	_ =	strace $0x90000049  }
0xb3: {  	s29 =	simm.s32 $0x9;
	_ =	strace $0x8000004B  }
0xb4: {  	_ =	swait.ge [sflag:s29], $0x1  }
0xb5: {  	[sflag:s29] =	ssyncadd.s32 $0xFFFFFFFF  }
0xb6: {  	_ =	strace $0x9000004B  }
0xb7: {  	_ =	sfence  }
0xb8: {  	s30 =	sld [smem:$0x0];
	_ =	sdelay $0x2  }
0xb9: {  	s31 =	sshll.u32 s1, $0xD;
	s1 =	sshrl.u32 s1, $0x2  }
0xba: {  	s3 =	sand.u32 $0x4000, s31;
	s1 =	sadd.s32 s1, s30  }
0xbb: {  	s0 =	sor.u32 s3, s0;
	s1 =	sshll.u32 s1, $0x11  }
0xbc: {  	s0 =	sor.u32 s1, s0  }
0xbd: {  	s0 =	sadd.s32 $0x8F2B, s0  }
0xbe: {  	[sflag:s0] =	ssyncadd.remote.s32 $0x1  }
0xbf: {  	_ =	sfence.sel $0xFFFF  }
0xc0: {  	[dreg:$0x0] =	wrdreg $0xFFFFFFFF;
	(pc) =	sbr.abs _section_cstart, $3  }
0xc1: {  	[dreg:$0x1] =	wrdreg $0xFFFFFFFF  }
0xc2: {  	_ =	task.clear_ibuf [dreg:s6], $0x2FFFF;
	_ =	strace $0x9FFFFFFF  }
0xc3: {  	(tm) =	ssettm $0x7FFFFFFF  }
tec
execute0_lowered:
.L_overlay_start_1:
0x0: {  	(tag) =	ssettag $0x1  }
0x1: {  	s0 =	rddreg [dreg:$0x0]  }
0x2: {  	s1 =	rddreg [dreg:$0x1]  }
0x3: {  	s2 =	rddreg [dreg:$0x2];
	s5 =	stileid.u32;
	s3 =	simm.s32 $0x0  }
0x4: {  	s7 =	srdreg.scid;
	s31 =	simm.s32 $0x19480;
	s4 =	smul.u32 $0x9C4, s5  }
0x5: {  	[smem:$0x7FF] =	sst s3;
	s6 =	smul.u32 $0x4E200, s5;
	s17 =	sand.u32 $0x1, s7  }
0x6: {  	s18 =	sadd.s32 $0x19200, s0;
	s12 =	sshll.u32 s5, $0xD;
	p0 =	sne.s32 s5, $0x0  }
0x7: {  	s29 =	sadd.s32 $0xA0000, s1;
	s30 =	sadd.s32 $0xA0000, s2;
	s5 =	simm.s32 $0x1  }
0x8: {  	_ =	strace $0x8000004A;
	s19 =	ssub.s32 $0x2, s17;
	s11 =	smul.u32 $0xFFFFEC00, s17  }
0x9: {  	s20 =	smul.u32 $0xA0000, s17;
	s13 =	sor.u32 $0x20000, s12;
	s14 =	sor.u32 $0x40000, s12  }
0xa: {  	s22 =	sor.u32 $0x60000, s12;
	s8 =	sadd.s32 s4, s0;
	s9 =	sadd.s32 s6, s0  }
0xb: {  	s0 =	sadd.s32 $0x41200, s0;
	s10 =	sshrl.u32 s19, $0x1;
	s4 =	sadd.s32 s12, s1  }
0xc: {  	s6 =	ssub.s32 s19, s10;
	s15 =	sor.u32 s20, s12;
	s16 =	sadd.s32 s20, s13  }
0xd: {  	s21 =	sadd.s32 s20, s14;
	s26 =	sadd.s32 s20, s22;
	s19 =	sadd.s32 s14, s1  }
0xe: {  	v0 =	vmov s11;
	s11 =	simm.s32 $0x0;
	s6 =	smax.u32 s6, $0x1;
	s15 =	sshrl.u32 s15, $0x3  }
0xf: {  	s16 =	sshrl.u32 s16, $0x3;
	s24 =	sshrl.u32 s21, $0x3;
	s28 =	sshrl.u32 s26, $0x3  }
0x10: {  	s21 =	sadd.s32 s22, s1;
	[dreg:$0x4] =	wrdreg s6;
	s17 =	sadd.s32 s18, s15  }
0x11: {  	s22 =	sadd.s32 s22, s2;
	s15 =	sadd.s32 s0, s15;
	[dreg:$0x5] =	wrdreg s17  }
0x12: {  	s26 =	sadd.s32 $0x18D1600, s9;
	s23 =	sadd.s32 s18, s16;
	[dreg:$0x6] =	wrdreg s15  }
0x13: {  	s6 =	sadd.s32 s12, s2;
	s16 =	sadd.s32 s0, s16;
	[dreg:$0x7] =	wrdreg s23  }
0x14: {  	s12 =	sor.u32 $0x80000, s12;
	s25 =	sadd.s32 s18, s24;
	[dreg:$0x8] =	wrdreg s16  }
0x15: {  	[dreg:$0x9] =	wrdreg s25;
	s15 =	sadd.s32 s0, s24;
	s10 =	sadd.s32 s20, s12  }
0x16: {  	s16 =	sadd.s32 s18, s28;
	s17 =	sadd.s32 s13, s1;
	s20 =	sadd.s32 s14, s2  }
0x17: {  	s23 =	sadd.s32 s12, s1;
	s24 =	sadd.s32 s12, s2;
	[dreg:$0xa] =	wrdreg s15  }
0x18: {  	s25 =	sadd.s32 $0x13EF600, s9;
	[dreg:$0xb] =	wrdreg s16;
	s15 =	sadd.s32 s0, s28  }
0x19: {  	s9 =	simm.s32 $0x16C80;
	s10 =	sshrl.u32 s10, $0x3;
	[dreg:$0xc] =	wrdreg s15  }
0x1a: {  	s7 =	sadd.s32 s18, s10;
	s16 =	sadd.s32 s0, s10;
	s18 =	sadd.s32 s13, s2  }
0x1b: {  	s13 =	sadd.s32 $0xF400, s8;
	s0 =	simm.s32 $0x2;
	s8 =	simm.s32 $0x14480  }
0x1c: {  	v1 =	vimm.f32 $0.0e+00;
	s10 =	simm.s32 $0x50;
	[dreg:$0xd] =	wrdreg s7;
	s7 =	simm.s32 $0x14400  }
.LBB2_1:
0x1d: {  	s12 =	sand.u32 $0x7E00, s3  }
0x1e: {  	s14 =	sand.u32 $0x70, s3;
	s28 =	sshrl.u32 s12, $0x2  }
0x1f: {  	s12 =	simm.s32 $0x40;
	s14 =	sor.u32 s14, s28;
	s28 =	simm.s32 $0x0  }
.LBB2_2:
0x20: {  	p1 =	sne.s32 s12, $0x7FC0  }
0x21: {  	[tilespmem:s14+$0x19480] =	vst v1;
	s28 =	sadd.s32 $0x10, s28;
	s14 =	smov.u32 s12;
	s12 =	sadd.s32 $0x40, s12  }
.Ltmp0:
0x22: {  	(pc) =	sbr.rel @p1 .LBB2_2-.Ltmp0, $4  }
0x23: {  	_ = 	snop  }
0x24: {  	s14 =	sand.u32 $0x7E00, s14  }
0x25: {  	s15 =	sand.u32 $0x70, s28;
	s14 =	sshrl.u32 s14, $0x2  }
0x26: {  	s14 =	sor.u32 s15, s14  }
0x27: {  	[tilespmem:s14+$0x19480] =	vst v1  }
0x28: {  	[spmem:s4] =	stream.linear.scatter [tilespmem:s31], [sflag:$0x2], $0x2000, $0x38;
	[tilespmem:$0x1B480] =	vst v63  }
0x29: {  	_ =	swait.ge [sflag:s0], $0x2000  }
0x2a: {  	[sflag:s0] =	ssyncset.done $0x0  }
0x2b: {  	[sflag:s0] =	ssyncadd.s32 $0xFFFFE000  }
0x2c: {  	[spmem:s6] =	stream.linear.scatter [tilespmem:s31], [sflag:$0x1], $0x2000, $0x38;
	[tilespmem:$0x1B480] =	vst v63  }
0x2d: {  	_ =	swait.ge [sflag:s5], $0x2000  }
0x2e: {  	[sflag:s5] =	ssyncset.done $0x0  }
0x2f: {  	[sflag:s5] =	ssyncadd.s32 $0xFFFFE000  }
0x30: {  	[spmem:s17] =	stream.linear.scatter [tilespmem:s31], [sflag:$0x2], $0x2000, $0x38;
	[tilespmem:$0x1B480] =	vst v63  }
0x31: {  	_ =	swait.ge [sflag:s0], $0x2000  }
0x32: {  	[sflag:s0] =	ssyncset.done $0x0  }
0x33: {  	[sflag:s0] =	ssyncadd.s32 $0xFFFFE000  }
0x34: {  	[spmem:s18] =	stream.linear.scatter [tilespmem:s31], [sflag:$0x1], $0x2000, $0x38;
	[tilespmem:$0x1B480] =	vst v63  }
0x35: {  	_ =	swait.ge [sflag:s5], $0x2000  }
0x36: {  	[sflag:s5] =	ssyncset.done $0x0  }
0x37: {  	[sflag:s5] =	ssyncadd.s32 $0xFFFFE000  }
0x38: {  	[spmem:s19] =	stream.linear.scatter [tilespmem:s31], [sflag:$0x2], $0x2000, $0x38;
	[tilespmem:$0x1B480] =	vst v63  }
0x39: {  	_ =	swait.ge [sflag:s0], $0x2000  }
0x3a: {  	[sflag:s0] =	ssyncset.done $0x0  }
0x3b: {  	[sflag:s0] =	ssyncadd.s32 $0xFFFFE000  }
0x3c: {  	[spmem:s20] =	stream.linear.scatter [tilespmem:s31], [sflag:$0x1], $0x2000, $0x38;
	[tilespmem:$0x1B480] =	vst v63  }
0x3d: {  	_ =	swait.ge [sflag:s5], $0x2000  }
0x3e: {  	[sflag:s5] =	ssyncset.done $0x0  }
0x3f: {  	[sflag:s5] =	ssyncadd.s32 $0xFFFFE000  }
0x40: {  	[spmem:s21] =	stream.linear.scatter [tilespmem:s31], [sflag:$0x2], $0x2000, $0x38;
	[tilespmem:$0x1B480] =	vst v63  }
0x41: {  	_ =	swait.ge [sflag:s0], $0x2000  }
0x42: {  	[sflag:s0] =	ssyncset.done $0x0  }
0x43: {  	[sflag:s0] =	ssyncadd.s32 $0xFFFFE000  }
0x44: {  	[spmem:s22] =	stream.linear.scatter [tilespmem:s31], [sflag:$0x1], $0x2000, $0x38;
	[tilespmem:$0x1B480] =	vst v63  }
0x45: {  	_ =	swait.ge [sflag:s5], $0x2000  }
0x46: {  	[sflag:s5] =	ssyncset.done $0x0  }
0x47: {  	[sflag:s5] =	ssyncadd.s32 $0xFFFFE000  }
0x48: {  	[spmem:s23] =	stream.linear.scatter [tilespmem:s31], [sflag:$0x2], $0x2000, $0x38;
	[tilespmem:$0x1B480] =	vst v63  }
0x49: {  	_ =	swait.ge [sflag:s0], $0x2000  }
0x4a: {  	[sflag:s0] =	ssyncset.done $0x0  }
0x4b: {  	[sflag:s0] =	ssyncadd.s32 $0xFFFFE000  }
0x4c: {  	[spmem:s24] =	stream.linear.scatter [tilespmem:s31], [sflag:$0x1], $0x2000, $0x38;
	[tilespmem:$0x1B480] =	vst v63  }
0x4d: {  	_ =	swait.ge [sflag:s5], $0x2000  }
0x4e: {  	[sflag:s5] =	ssyncset.done $0x0  }
0x4f: {  	s12 =	simm.s32 @!p0 $0x19480;
	s14 =	simm.s32 @!p0 $0x2;
	[sflag:s5] =	ssyncadd.s32 $0xFFFFE000  }
0x50: {  	[spmem:s29] =	stream.linear.scatter @!p0 [tilespmem:s12], [sflag:$0x2], $0x2000, $0x38;
	[tilespmem:$0x1B480] =	vst v63  }
0x51: {  	_ =	swait.ge @!p0 [sflag:s14], $0x2000  }
0x52: {  	[sflag:s14] =	ssyncset.done @!p0 $0x0  }
0x53: {  	[sflag:s14] =	ssyncadd.s32 @!p0 $0xFFFFE000  }
0x54: {  	[spmem:s30] =	stream.linear.scatter @!p0 [tilespmem:s12], [sflag:$0x1], $0x2000, $0x38;
	[tilespmem:$0x1B480] =	vst v63  }
0x55: {  	s12 =	simm.s32 @!p0 $0x1  }
0x56: {  	_ =	swait.ge @!p0 [sflag:s12], $0x2000  }
0x57: {  	[sflag:s12] =	ssyncset.done @!p0 $0x0  }
0x58: {  	[sflag:s12] =	ssyncadd.s32 @!p0 $0xFFFFE000  }
0x59: {  	[bflag:$0x0] =	sbarrier.arrive $0xFFFF  }
0x5a: {  	[tilespmem:s7], [sflag:$0x1] =	stream.linear.gather [hbm4b:s13+s3], $0x50, $0x38;
	[tilespmem:$0x1B480] =	vst v63  }
0x5b: {  	_ =	swait.ge [sflag:s5], $0x50  }
0x5c: {  	[sflag:s5] =	ssyncset.done $0x0  }
0x5d: {  	s14 =	sadd.s32 $0x0, s25;
	[sflag:s5] =	ssyncadd.s32 $0xFFFFFFB0  }
0x5e: {  	[tilespmem:s8], [sflag:$0x1] =	stream.linear.gather [hbm4b:s14+s3], $0x2800, $0x38;
	[tilespmem:$0x1B480] =	vst v63  }
0x5f: {  	_ =	swait.ge [sflag:s5], $0x2800  }
0x60: {  	[sflag:s5] =	ssyncset.done $0x0  }
0x61: {  	s15 =	sadd.s32 $0x0, s26;
	[sflag:s5] =	ssyncadd.s32 $0xFFFFD800  }
0x62: {  	[tilespmem:s9], [sflag:$0x1] =	stream.linear.gather [hbm4b:s15+s3], $0x2800, $0x38;
	[tilespmem:$0x1B480] =	vst v63  }
0x63: {  	_ =	swait.ge [sflag:s5], $0x2800  }
0x64: {  	[sflag:s5] =	ssyncset.done $0x0  }
0x65: {  	[sflag:s5] =	ssyncadd.s32 $0xFFFFD800  }
0x66: {  	v2 =	vld [tilespmem:$0x14440]  }
0x67: {  	v3 =	vld [tilespmem:$0x14430]  }
0x68: {  	v4 =	vld [tilespmem:$0x14420]  }
0x69: {  	v5 =	vld [tilespmem:$0x14410]  }
0x6a: {  	v6 =	vld [tilespmem:$0x14400]  }
0x6b: {  	v2 =	vadd.s32 v0, v2  }
0x6c: {  	v3 =	vadd.s32 v0, v3;
	v2 =	vmin.u32 v2, $0x1400  }
0x6d: {  	v4 =	vadd.s32 v0, v4;
	v3 =	vmin.u32 v3, $0x1400;
	[tilespmem:$0x14440] =	vst v2  }
0x6e: {  	v4 =	vmin.u32 v4, $0x1400;
	v2 =	vadd.s32 v0, v5;
	[tilespmem:$0x14430] =	vst v3  }
0x6f: {  	v3 =	vadd.s32 v0, v6;
	[tilespmem:$0x14420] =	vst v4;
	v2 =	vmin.u32 v2, $0x1400  }
0x70: {  	v3 =	vmin.u32 v3, $0x1400;
	[tilespmem:$0x14410] =	vst v2  }
0x71: {  	[tilespmem:$0x14400] =	vst v3  }
0x72: {  	[spmem:s1] =	stream.indirect.scatter.add.f32 [tilespmem:s8], [sflag:$0x1], $0x80, s7, s10, $0xb8;
	[tilespmem:$0x1B480] =	vst v63  }
0x73: {  	_ =	swait.ge [sflag:s5], $0x2800  }
0x74: {  	s28 =	smov.u32 s13;
	s12 =	simm.s32 $0x500;
	[sflag:s5] =	ssyncset.done $0x0  }
.LBB2_4:
0x75: {  	p1 =	sne.s32 s12, $0x4DD00;
	[sflag:s5] =	ssyncadd.s32 $0xFFFFD800;
	s28 =	sadd.s32 $0xA, s28  }
0x76: {  	[spmem:s2] =	stream.indirect.scatter.add.f32 [tilespmem:s9], [sflag:$0x1], $0x80, s7, s10, $0xb8;
	[tilespmem:$0x1B480] =	vst v63  }
0x77: {  	s14 =	smov.u32 s12;
	s12 =	sadd.s32 $0x500, s12;
	_ =	swait.ge [sflag:s5], $0x2800  }
0x78: {  	[sflag:s5] =	ssyncset.done $0x0  }
0x79: {  	[sflag:s5] =	ssyncadd.s32 $0xFFFFD800  }
0x7a: {  	[tilespmem:s7], [sflag:$0x1] =	stream.linear.gather [hbm4b:s28+s3], $0x50, $0x38;
	[tilespmem:$0x1B480] =	vst v63  }
0x7b: {  	_ =	swait.ge [sflag:s5], $0x50  }
0x7c: {  	[sflag:s5] =	ssyncset.done $0x0  }
0x7d: {  	s15 =	sadd.s32 s14, s25;
	[sflag:s5] =	ssyncadd.s32 $0xFFFFFFB0  }
0x7e: {  	[tilespmem:s8], [sflag:$0x1] =	stream.linear.gather [hbm4b:s15+s3], $0x2800, $0x38;
	[tilespmem:$0x1B480] =	vst v63  }
0x7f: {  	_ =	swait.ge [sflag:s5], $0x2800  }
0x80: {  	[sflag:s5] =	ssyncset.done $0x0  }
0x81: {  	s14 =	sadd.s32 s14, s26;
	[sflag:s5] =	ssyncadd.s32 $0xFFFFD800  }
0x82: {  	[tilespmem:s9], [sflag:$0x1] =	stream.linear.gather [hbm4b:s14+s3], $0x2800, $0x38;
	[tilespmem:$0x1B480] =	vst v63  }
0x83: {  	_ =	swait.ge [sflag:s5], $0x2800  }
0x84: {  	[sflag:s5] =	ssyncset.done $0x0  }
0x85: {  	[sflag:s5] =	ssyncadd.s32 $0xFFFFD800  }
0x86: {  	v2 =	vld [tilespmem:$0x14440]  }
0x87: {  	v3 =	vld [tilespmem:$0x14430]  }
0x88: {  	v4 =	vld [tilespmem:$0x14420]  }
0x89: {  	v5 =	vld [tilespmem:$0x14410]  }
0x8a: {  	v6 =	vld [tilespmem:$0x14400]  }
0x8b: {  	v2 =	vadd.s32 v0, v2  }
0x8c: {  	v3 =	vadd.s32 v0, v3;
	v2 =	vmin.u32 v2, $0x1400  }
0x8d: {  	v4 =	vadd.s32 v0, v4;
	v3 =	vmin.u32 v3, $0x1400;
	[tilespmem:$0x14440] =	vst v2  }
0x8e: {  	v2 =	vadd.s32 v0, v5;
	v4 =	vmin.u32 v4, $0x1400;
	[tilespmem:$0x14430] =	vst v3  }
0x8f: {  	v3 =	vadd.s32 v0, v6;
	v2 =	vmin.u32 v2, $0x1400;
	[tilespmem:$0x14420] =	vst v4  }
.Ltmp1:
0x90: {  	v3 =	vmin.u32 v3, $0x1400;
	[tilespmem:$0x14410] =	vst v2;
	(pc) =	sbr.rel @p1 .LBB2_4-.Ltmp1, $4  }
0x91: {  	[tilespmem:$0x14400] =	vst v3  }
0x92: {  	[spmem:s1] =	stream.indirect.scatter.add.f32 [tilespmem:s8], [sflag:$0x1], $0x80, s7, s10, $0xb8;
	[tilespmem:$0x1B480] =	vst v63  }
0x93: {  	_ =	swait.ge [sflag:s5], $0x2800  }
0x94: {  	[sflag:s5] =	ssyncset.done $0x0  }
0x95: {  	[sflag:s5] =	ssyncadd.s32 $0xFFFFD800  }
0x96: {  	[spmem:s2] =	stream.indirect.scatter.add.f32 [tilespmem:s9], [sflag:$0x1], $0x80, s7, s10, $0xb8;
	[tilespmem:$0x1B480] =	vst v63  }
0x97: {  	_ =	swait.ge [sflag:s5], $0x2800  }
0x98: {  	[sflag:s5] =	ssyncset.done $0x0  }
0x99: {  	[sflag:s5] =	ssyncadd.s32 $0xFFFFD800  }
0x9a: {  	[bflag:$0x0] =	sbarrier.arrive $0xFFFF  }
0x9b: {  	[tilespmem:s31], [sflag:$0x2] =	stream.linear.gather [spmem:s4], $0x2000, $0x38;
	[tilespmem:$0x1B480] =	vst v63  }
0x9c: {  	_ =	swait.ge [sflag:s0], $0x2000  }
0x9d: {  	[sflag:s0] =	ssyncset.done $0x0  }
0x9e: {  	s12 =	rddreg [dreg:$0x5];
	[sflag:s0] =	ssyncadd.s32 $0xFFFFE000  }
0x9f: {  	[hbm4b:s12+s3] =	stream.linear.scatter [tilespmem:s31], [sflag:$0x2], $0x2000, $0x38;
	[tilespmem:$0x1B480] =	vst v63  }
0xa0: {  	_ =	swait.ge [sflag:s0], $0x2000  }
0xa1: {  	[sflag:s0] =	ssyncset.done $0x0  }
0xa2: {  	[sflag:s0] =	ssyncadd.s32 $0xFFFFE000  }
0xa3: {  	[tilespmem:s31], [sflag:$0x2] =	stream.linear.gather [spmem:s6], $0x2000, $0x38;
	[tilespmem:$0x1B480] =	vst v63  }
0xa4: {  	_ =	swait.ge [sflag:s0], $0x2000  }
0xa5: {  	[sflag:s0] =	ssyncset.done $0x0  }
0xa6: {  	s14 =	rddreg [dreg:$0x6];
	[sflag:s0] =	ssyncadd.s32 $0xFFFFE000  }
0xa7: {  	[hbm4b:s14+s3] =	stream.linear.scatter [tilespmem:s31], [sflag:$0x1], $0x2000, $0x38;
	[tilespmem:$0x1B480] =	vst v63  }
0xa8: {  	_ =	swait.ge [sflag:s5], $0x2000  }
0xa9: {  	[sflag:s5] =	ssyncset.done $0x0  }
0xaa: {  	[sflag:s5] =	ssyncadd.s32 $0xFFFFE000  }
0xab: {  	[tilespmem:s31], [sflag:$0x2] =	stream.linear.gather [spmem:s17], $0x2000, $0x38;
	[tilespmem:$0x1B480] =	vst v63  }
0xac: {  	_ =	swait.ge [sflag:s0], $0x2000  }
0xad: {  	[sflag:s0] =	ssyncset.done $0x0  }
0xae: {  	s15 =	rddreg [dreg:$0x7];
	[sflag:s0] =	ssyncadd.s32 $0xFFFFE000  }
0xaf: {  	[hbm4b:s15+s3] =	stream.linear.scatter [tilespmem:s31], [sflag:$0x2], $0x2000, $0x38;
	[tilespmem:$0x1B480] =	vst v63  }
0xb0: {  	_ =	swait.ge [sflag:s0], $0x2000  }
0xb1: {  	[sflag:s0] =	ssyncset.done $0x0  }
0xb2: {  	[sflag:s0] =	ssyncadd.s32 $0xFFFFE000  }
0xb3: {  	[tilespmem:s31], [sflag:$0x2] =	stream.linear.gather [spmem:s18], $0x2000, $0x38;
	[tilespmem:$0x1B480] =	vst v63  }
0xb4: {  	_ =	swait.ge [sflag:s0], $0x2000  }
0xb5: {  	[sflag:s0] =	ssyncset.done $0x0  }
0xb6: {  	s28 =	rddreg [dreg:$0x8];
	[sflag:s0] =	ssyncadd.s32 $0xFFFFE000  }
0xb7: {  	[hbm4b:s28+s3] =	stream.linear.scatter [tilespmem:s31], [sflag:$0x1], $0x2000, $0x38;
	[tilespmem:$0x1B480] =	vst v63  }
0xb8: {  	_ =	swait.ge [sflag:s5], $0x2000  }
0xb9: {  	[sflag:s5] =	ssyncset.done $0x0  }
0xba: {  	[sflag:s5] =	ssyncadd.s32 $0xFFFFE000  }
0xbb: {  	[tilespmem:s31], [sflag:$0x2] =	stream.linear.gather [spmem:s19], $0x2000, $0x38;
	[tilespmem:$0x1B480] =	vst v63  }
0xbc: {  	_ =	swait.ge [sflag:s0], $0x2000  }
0xbd: {  	[sflag:s0] =	ssyncset.done $0x0  }
0xbe: {  	s14 =	rddreg [dreg:$0x9];
	[sflag:s0] =	ssyncadd.s32 $0xFFFFE000  }
0xbf: {  	[hbm4b:s14+s3] =	stream.linear.scatter [tilespmem:s31], [sflag:$0x2], $0x2000, $0x38;
	[tilespmem:$0x1B480] =	vst v63  }
0xc0: {  	_ =	swait.ge [sflag:s0], $0x2000  }
0xc1: {  	[sflag:s0] =	ssyncset.done $0x0  }
0xc2: {  	[sflag:s0] =	ssyncadd.s32 $0xFFFFE000  }
0xc3: {  	[tilespmem:s31], [sflag:$0x2] =	stream.linear.gather [spmem:s20], $0x2000, $0x38;
	[tilespmem:$0x1B480] =	vst v63  }
0xc4: {  	_ =	swait.ge [sflag:s0], $0x2000  }
0xc5: {  	[sflag:s0] =	ssyncset.done $0x0  }
0xc6: {  	s15 =	rddreg [dreg:$0xa];
	[sflag:s0] =	ssyncadd.s32 $0xFFFFE000  }
0xc7: {  	[hbm4b:s15+s3] =	stream.linear.scatter [tilespmem:s31], [sflag:$0x1], $0x2000, $0x38;
	[tilespmem:$0x1B480] =	vst v63  }
0xc8: {  	_ =	swait.ge [sflag:s5], $0x2000  }
0xc9: {  	[sflag:s5] =	ssyncset.done $0x0  }
0xca: {  	[sflag:s5] =	ssyncadd.s32 $0xFFFFE000  }
0xcb: {  	[tilespmem:s31], [sflag:$0x2] =	stream.linear.gather [spmem:s21], $0x2000, $0x38;
	[tilespmem:$0x1B480] =	vst v63  }
0xcc: {  	_ =	swait.ge [sflag:s0], $0x2000  }
0xcd: {  	[sflag:s0] =	ssyncset.done $0x0  }
0xce: {  	s28 =	rddreg [dreg:$0xb];
	[sflag:s0] =	ssyncadd.s32 $0xFFFFE000  }
0xcf: {  	[hbm4b:s28+s3] =	stream.linear.scatter [tilespmem:s31], [sflag:$0x2], $0x2000, $0x38;
	[tilespmem:$0x1B480] =	vst v63  }
0xd0: {  	_ =	swait.ge [sflag:s0], $0x2000  }
0xd1: {  	[sflag:s0] =	ssyncset.done $0x0  }
0xd2: {  	[sflag:s0] =	ssyncadd.s32 $0xFFFFE000  }
0xd3: {  	[tilespmem:s31], [sflag:$0x2] =	stream.linear.gather [spmem:s22], $0x2000, $0x38;
	[tilespmem:$0x1B480] =	vst v63  }
0xd4: {  	_ =	swait.ge [sflag:s0], $0x2000  }
0xd5: {  	[sflag:s0] =	ssyncset.done $0x0  }
0xd6: {  	s14 =	rddreg [dreg:$0xc];
	[sflag:s0] =	ssyncadd.s32 $0xFFFFE000  }
0xd7: {  	[hbm4b:s14+s3] =	stream.linear.scatter [tilespmem:s31], [sflag:$0x1], $0x2000, $0x38;
	[tilespmem:$0x1B480] =	vst v63  }
0xd8: {  	_ =	swait.ge [sflag:s5], $0x2000  }
0xd9: {  	[sflag:s5] =	ssyncset.done $0x0  }
0xda: {  	[sflag:s5] =	ssyncadd.s32 $0xFFFFE000  }
0xdb: {  	[tilespmem:s31], [sflag:$0x2] =	stream.linear.gather [spmem:s23], $0x2000, $0x38;
	[tilespmem:$0x1B480] =	vst v63  }
0xdc: {  	_ =	swait.ge [sflag:s0], $0x2000  }
0xdd: {  	[sflag:s0] =	ssyncset.done $0x0  }
0xde: {  	s15 =	rddreg [dreg:$0xd];
	[sflag:s0] =	ssyncadd.s32 $0xFFFFE000  }
0xdf: {  	[hbm4b:s15+s3] =	stream.linear.scatter [tilespmem:s31], [sflag:$0x2], $0x2000, $0x38;
	[tilespmem:$0x1B480] =	vst v63  }
0xe0: {  	_ =	swait.ge [sflag:s0], $0x2000  }
0xe1: {  	[sflag:s0] =	ssyncset.done $0x0  }
0xe2: {  	[sflag:s0] =	ssyncadd.s32 $0xFFFFE000  }
0xe3: {  	[tilespmem:s31], [sflag:$0x2] =	stream.linear.gather [spmem:s24], $0x2000, $0x38;
	[tilespmem:$0x1B480] =	vst v63  }
0xe4: {  	_ =	swait.ge [sflag:s0], $0x2000  }
0xe5: {  	[sflag:s0] =	ssyncset.done $0x0  }
0xe6: {  	[sflag:s0] =	ssyncadd.s32 $0xFFFFE000  }
0xe7: {  	[hbm4b:s16+s3] =	stream.linear.scatter [tilespmem:s31], [sflag:$0x1], $0x2000, $0x38;
	[tilespmem:$0x1B480] =	vst v63  }
0xe8: {  	_ =	swait.ge [sflag:s5], $0x2000  }
0xe9: {  	s11 =	sadd.s32 $0x1, s11;
	s28 =	rddreg [dreg:$0x4]  }
0xea: {  	p1 =	sne.s32 s11, s28  }
.Ltmp2:
0xeb: {  	_ = 	snop;
	(pc) =	sbr.rel @p1 .LBB2_1-.Ltmp2, $3  }
0xec: {  	_ =	sdelay $0x1  }
0xed: {  	[sflag:s5] =	ssyncset.done $0x0  }
0xee: {  	[sflag:s5] =	ssyncadd.s32 $0xFFFFE000  }
0xef: {  	_ =	sfence.sel $0x180000  }
0xf0: {  	[bflag:$0x0] =	sbarrier.arrive $0xFFFF  }
0xf1: {  	_ =	strace $0x9000004A  }
0xf2: {  	[bflag:$0x2] =	sbarrier.arrive $0xFFFF  }
0xf3: {  	s0 =	rddreg [dreg:$0x3]  }
0xf4: {  	s0 =	sadd.s32 @!p0 $0x100000, s0  }
0xf5: {  	[sflag:s0] =	ssyncadd.tile.s32 @!p0 $0x1;
	_ =	shalt  }
.Lfunc_end2:
_tile_overlayer_lowered:
.L_overlay_start_2:
0xf6: {  	(tag) =	ssettag $0x2  }
0xf7: {  	s0 =	rddreg [dreg:$0x0];
	s2 =	stileid.u32  }
0xf8: {  	s1 =	rddreg [dreg:$0x1];
	p0 =	sne.s32 s2, $0x0  }
0xf9: {  	s3 =	rddreg [dreg:$0x2];
	[bflag:$0x3] =	sbarrier.arrive $0xFFFF;
	s2 =	simm.s32 @!p0 $0x1C01  }
0xfa: {  	[timem:s3], [sflag:s2] =	dma.local @!p0 [hbm:s0], s1  }
0xfb: {  	s0 =	simm.s32 @!p0 $0x1  }
0xfc: {  	_ =	swait.ge @!p0 [sflag:s0], s1  }
0xfd: {  	s1 =	ssub.s32 @!p0 $0x0, s1;
	[sflag:s0] =	ssyncset.done @!p0 $0x0  }
0xfe: {  	[sflag:s0] =	ssyncadd.s32 @!p0 s1  }
0xff: {  	[bflag:$0x3] =	sbarrier.arrive $0xFFFF  }
0x100: {  	_ =	shalt  }

// kernel: kernel.7.cloned.1.call-start
scs
__scs_entry_jumppad:
0x0: {  	(pc) =	sbr.rel $0x88, $3  }
0x1: {  	(tag) =	ssettag $0x0;
	lr =	simm.s32 $0x1  }
0x2: {  	[smem:$0x3F87] =	sst lr;
	_ =	strace $0xD0000000  }
0x3: {  	_ = 	snop  }
0x4: {  	_ = 	snop  }
0x5: {  	_ = 	snop  }
0x6: {  	_ = 	snop  }
0x7: {  	_ = 	snop  }
__scs_overlays_trampoline_lowered:
0x8: {  	[smem:$0x3F96] =	sst s0  }
0x9: {  	[smem:$0x3F97] =	sst s1  }
0xa: {  	[smem:$0x3F98] =	sst s2  }
0xb: {  	[smem:$0x3F99] =	sst s3  }
0xc: {  	[smem:$0x3F9A] =	sst s4  }
0xd: {  	[smem:$0x3F9B] =	sst s5  }
0xe: {  	[smem:$0x3F9C] =	sst s6  }
0xf: {  	[smem:$0x3F9D] =	sst s7  }
0x10: {  	[smem:$0x3F9E] =	sst s8  }
0x11: {  	[smem:$0x3F9F] =	sst s9;
	s0 =	simm.s32 @!p0 $0x0  }
0x12: {  	s1 =	sld [smem:$0x3F85];
	s0 =	simm.s32 @p0 $0x1  }
0x13: {  	[smem:$0x3FA0] =	sst s0;
	s0 =	simm.s32 @!p1 $0x0  }
0x14: {  	s2 =	sld [smem:$0x3F84];
	s0 =	simm.s32 @p1 $0x1  }
0x15: {  	[smem:$0x3FA1] =	sst s0;
	s0 =	simm.s32 @!p2 $0x0  }
0x16: {  	s3 =	sld [smem:$0x3FDB];
	s0 =	simm.s32 @p2 $0x1  }
0x17: {  	s4 =	simm.s32 $0x1BF5;
	[smem:$0x3FA3] =	sst s0  }
0x18: {  	s0 =	sld [smem:$0x3F86];
	_ =	swait.ge [sflag:s4], $0x0  }
0x19: {  	s7 =	sld [smem:$0x3F87]  }
0x1a: {  	s8 =	sadd.s32 $0xFFFFE003, lr  }
0x1b: {  	s9 =	sadd.s32 $0xFFFFFEF7, lr;
	s5 =	simm.s32 $0xFFFFFFFF;
	p2 =	slt.u32 s8, $0xFFFFF086  }
0x1c: {  	p1 =	slt.u32 s9, $0xF7A;
	s5 =	simm.s32 @!p2 $0x0  }
0x1d: {  	s5 =	simm.s32 @p1 $0x1;
	p0 =	seq.s32 s7, s2  }
0x1e: {  	s7 =	smul.u32 @!p0 $0xF7A, s2;
	p2 =	seq.s32 @!p0 s5, $0x0  }
0x1f: {  	s9 =	smul.u32 $0xF7A, s1;
	s8 =	simm.s32 @!p0 $0x1BF5;
	p2 =	por !p2, p0  }
0x20: {  	[sflag:s8] =	ssyncset.s32 @!p0 $0xFFFFF086;
	s6 =	sadd.s32 @!p0 s3, s7;
	s7 =	simm.s32 @!p0 $0x108  }
0x21: {  	s3 =	sadd.s32 s3, s9;
	s6 =	sadd.s32 @!p0 $0x88, s6;
	s7 =	simm.s32 @p2 $0x1082  }
0x22: {  	[simem:s7], [sflag:s8] =	dma.local @!p0 [hbm:s6], $0xF7A  }
0x23: {  	s9 =	sor.u32 $0xD0000000, s2;
	s6 =	simm.s32 $0x108;
	_ =	swait.ge @!p0 [sflag:s8], $0x0  }
0x24: {  	s3 =	sadd.s32 $0x88, s3;
	s6 =	simm.s32 @!p1 $0x1082;
	[sflag:s4] =	ssyncset.s32 $0xFFFFF086  }
0x25: {  	[simem:s6], [sflag:s4] =	dma.local [hbm:s3], $0xF7A  }
0x26: {  	[smem:$0x3F87] =	sst s1;
	(tag) =	ssettag s2;
	_ =	strace s9  }
0x27: {  	s1 =	sld [smem:$0x3F97]  }
0x28: {  	s2 =	sld [smem:$0x3F98]  }
0x29: {  	s4 =	sld [smem:$0x3F9A]  }
0x2a: {  	p0 =	seq.s32 s5, $0x0;
	s5 =	sld [smem:$0x3F9B]  }
0x2b: {  	s6 =	sld [smem:$0x3F9C]  }
0x2c: {  	s7 =	sld [smem:$0x3F9D]  }
0x2d: {  	s3 =	simm.s32 $0x108;
	s8 =	sld [smem:$0x3F9E]  }
0x2e: {  	s3 =	simm.s32 @!p0 $0x1082;
	s9 =	sld [smem:$0x3F9F]  }
0x2f: {  	lr =	sadd.s32 s0, s3;
	s0 =	sld [smem:$0x3F96]  }
0x30: {  	s3 =	sld [smem:$0x3F99]  }
0x31: {  	[smem:$0x3FA2] =	sst s10  }
0x32: {  	s10 =	sld [smem:$0x3FA0];
	_ =	sdelay $0x3  }
0x33: {  	p0 =	seq.s32 s10, $0x1;
	s10 =	sld [smem:$0x3FA2];
	_ =	sdelay $0x3  }
0x34: {  	[smem:$0x3FA2] =	sst s10  }
0x35: {  	s10 =	sld [smem:$0x3FA1];
	_ =	sdelay $0x3  }
0x36: {  	p1 =	seq.s32 s10, $0x1;
	s10 =	sld [smem:$0x3FA2];
	_ =	sdelay $0x3  }
0x37: {  	[smem:$0x3FA2] =	sst s10  }
0x38: {  	s10 =	sld [smem:$0x3FA3]  }
0x39: {  	_ = 	snop;
	(pc) =	sbr.ind lr, $3  }
0x3a: {  	_ = 	snop  }
0x3b: {  	_ = 	snop  }
0x3c: {  	p2 =	seq.s32 s10, $0x1;
	s10 =	sld [smem:$0x3FA2]  }
0x3d: {  	_ =	shalt  }
0x3e: {  	_ =	shalt  }
0x3f: {  	_ =	shalt  }
0x40: {  	_ =	shalt  }
0x41: {  	_ =	shalt  }
0x42: {  	_ =	shalt  }
0x43: {  	_ =	shalt  }
0x44: {  	_ =	shalt  }
0x45: {  	_ =	shalt  }
0x46: {  	_ =	shalt  }
0x47: {  	_ =	shalt  }
0x48: {  	_ =	shalt  }
0x49: {  	_ =	shalt  }
0x4a: {  	_ =	shalt  }
0x4b: {  	_ =	shalt  }
0x4c: {  	_ =	shalt  }
0x4d: {  	_ =	shalt  }
0x4e: {  	_ =	shalt  }
0x4f: {  	_ =	shalt  }
0x50: {  	_ =	shalt  }
0x51: {  	_ =	shalt  }
0x52: {  	_ =	shalt  }
0x53: {  	_ =	shalt  }
0x54: {  	_ =	shalt  }
0x55: {  	_ =	shalt  }
0x56: {  	_ =	shalt  }
0x57: {  	_ =	shalt  }
0x58: {  	_ =	shalt  }
0x59: {  	_ =	shalt  }
0x5a: {  	_ =	shalt  }
0x5b: {  	_ =	shalt  }
0x5c: {  	_ =	shalt  }
0x5d: {  	_ =	shalt  }
0x5e: {  	_ =	shalt  }
0x5f: {  	_ =	shalt  }
0x60: {  	_ =	shalt  }
0x61: {  	_ =	shalt  }
0x62: {  	_ =	shalt  }
0x63: {  	_ =	shalt  }
0x64: {  	_ =	shalt  }
0x65: {  	_ =	shalt  }
0x66: {  	_ =	shalt  }
0x67: {  	_ =	shalt  }
0x68: {  	_ =	shalt  }
0x69: {  	_ =	shalt  }
0x6a: {  	_ =	shalt  }
0x6b: {  	_ =	shalt  }
0x6c: {  	_ =	shalt  }
0x6d: {  	_ =	shalt  }
0x6e: {  	_ =	shalt  }
0x6f: {  	_ =	shalt  }
0x70: {  	_ =	shalt  }
0x71: {  	_ =	shalt  }
0x72: {  	_ =	shalt  }
0x73: {  	_ =	shalt  }
0x74: {  	_ =	shalt  }
0x75: {  	_ =	shalt  }
0x76: {  	_ =	shalt  }
0x77: {  	_ =	shalt  }
0x78: {  	_ =	shalt  }
0x79: {  	_ =	shalt  }
0x7a: {  	_ =	shalt  }
0x7b: {  	_ =	shalt  }
0x7c: {  	_ =	shalt  }
0x7d: {  	_ =	shalt  }
0x7e: {  	_ =	shalt  }
0x7f: {  	_ =	shalt  }
0x80: {  	_ =	shalt  }
0x81: {  	_ =	shalt  }
0x82: {  	_ =	shalt  }
0x83: {  	_ =	shalt  }
0x84: {  	_ =	shalt  }
0x85: {  	_ =	shalt  }
0x86: {  	_ =	shalt  }
0x87: {  	_ =	shalt  }
.Lfunc_end0:
.L_simem_size_0:
called_computation_lowered:
.L_overlay_start_0:
0x88: {  	s2 =	sld [smem:$0x3FD9]  }
0x89: {  	s3 =	sld [smem:$0x3FFE];
	_ =	sdelay $0x1  }
0x8a: {  	s1 =	srdreg.scid  }
0x8b: {  	s0 =	sand.u32 $0x1, s1  }
0x8c: {  	s17 =	sshll.u32 s0, $0xA;
	s2 =	sadd.s32 s3, s2  }
0x8d: {  	s2 =	sadd.s32 s2, s17  }
0x8e: {  	[smem:$0x3FAE] =	sst s2  }
0x8f: {  	_ = 	snop  }
0x90: {  	s2 =	sld [smem:$0x3FD0];
	(tm) =	ssettm $0x1  }
0x91: {  	s18 =	sld [smem:$0x3FFB];
	_ =	sdelay $0x3  }
0x92: {  	_ =	strace s18  }
0x93: {  	s3 =	sld [smem:$0x3FFC];
	_ =	sdelay $0x3  }
0x94: {  	_ =	strace s3  }
0x95: {  	s3 =	sld [smem:$0x3FFD];
	_ =	sdelay $0x3  }
0x96: {  	_ =	strace s3  }
0x97: {  	_ =	strace $0x8FFFFFFF  }
0x98: {  	s19 =	sld [smem:$0x3FDB];
	_ =	sdelay $0x1  }
0x99: {  	s4 =	simm.s32 $_scs_section_size  }
0x9a: {  	s5 =	simm.s32 $_size__tile_overlayer_lowered;
	s6 =	simm.s32 $_tile_overlayer_lowered  }
0x9b: {  	s22 =	simm.s32 $0x1BFF;
	s21 =	sshll.u32 s6, $0x1;
	s3 =	sadd.s32 s4, s19  }
0x9c: {  	s7 =	simm.s32 $0x0;
	s20 =	sshll.u32 s5, $0x1;
	s5 =	sadd.s32 s21, s3  }
0x9d: {  	[timem:s7], [sflag:s22] =	dma.local [hbm:s5], s20  }
0x9e: {  	_ =	swait.ge [sflag:s22], s20  }
0x9f: {  	s4 =	ssub.s32 $0x0, s20;
	[sflag:s22] =	ssyncset.done $0x0  }
0xa0: {  	[sflag:s22] =	ssyncadd.s32 s4;
	_ =	sdelay $0x1  }
0xa1: {  	s23 =	simm.s32 $0x1B8B  }
0xa2: {  	_ =	swait.ge [sflag:s23], $0x1  }
0xa3: {  	[sflag:s23] =	ssyncset.done $0x0  }
0xa4: {  	s25 =	simm.s32 $0x1B8E;
	s24 =	sld [smem:$0x3FFE];
	[sflag:s23] =	ssyncadd.s32 $0xFFFFFFFF  }
0xa5: {  	s26 =	simm.s32 $execute0_lowered;
	[smem:$0x3FD2] =	sst s25  }
0xa6: {  	s5 =	sshll.u32 s26, $0x1;
	_ =	strace $0x80000046;
	[dreg:$0x1] =	wrdreg $0xFFFFFFFF  }
0xa7: {  	s28 =	simm.s32 $_size_execute0_lowered;
	s3 =	sadd.s32 s3, s5;
	[dreg:$0x0] =	wrdreg $0x0  }
0xa8: {  	s5 =	sshll.u32 s28, $0x1;
	[dreg:$0x2] =	wrdreg s3  }
0xa9: {  	[dreg:$0x3] =	wrdreg s5  }
0xaa: {  	[dreg:$0x4] =	wrdreg $0xC0  }
0xab: {  	_ =	task [dreg:s7], $0x5FFFF  }
0xac: {  	[dreg:$0x1] =	wrdreg $0xFFFFFFFF  }
0xad: {  	[dreg:$0x0] =	wrdreg $0x60  }
0xae: {  	[dreg:$0x2] =	wrdreg s24  }
0xaf: {  	[dreg:$0x3] =	wrdreg s2  }
0xb0: {  	[dreg:$0x4] =	wrdreg $0x9  }
0xb1: {  	_ =	task.clear_ibuf [dreg:s7], $0x5FFFF;
	_ =	strace $0x90000046  }
0xb2: {  	s29 =	simm.s32 $0x9;
	_ =	strace $0x80000048  }
0xb3: {  	_ =	swait.ge [sflag:s29], $0x1  }
0xb4: {  	[sflag:s29] =	ssyncadd.s32 $0xFFFFFFFF  }
0xb5: {  	_ =	strace $0x90000048  }
0xb6: {  	_ =	sfence  }
0xb7: {  	s30 =	sld [smem:$0x0];
	_ =	sdelay $0x2  }
0xb8: {  	s31 =	sshll.u32 s1, $0xD;
	s1 =	sshrl.u32 s1, $0x2  }
0xb9: {  	s3 =	sand.u32 $0x4000, s31;
	s1 =	sadd.s32 s1, s30  }
0xba: {  	s0 =	sor.u32 s3, s0;
	s1 =	sshll.u32 s1, $0x11  }
0xbb: {  	s0 =	sor.u32 s1, s0  }
0xbc: {  	s0 =	sadd.s32 $0x8F2B, s0  }
0xbd: {  	[sflag:s0] =	ssyncadd.remote.s32 $0x1  }
0xbe: {  	_ =	sfence.sel $0xFFFF  }
0xbf: {  	[dreg:$0x0] =	wrdreg $0xFFFFFFFF;
	(pc) =	sbr.abs _section_cstart, $3  }
0xc0: {  	[dreg:$0x1] =	wrdreg $0xFFFFFFFF  }
0xc1: {  	_ =	task.clear_ibuf [dreg:s7], $0x2FFFF;
	_ =	strace $0x9FFFFFFF  }
0xc2: {  	(tm) =	ssettm $0x7FFFFFFF  }
0xc3: {  	_ =	shalt  }
tec
execute0_lowered:
.L_overlay_start_1:
0x0: {  	(tag) =	ssettag $0x1  }
0x1: {  	s5 =	rddreg [dreg:$0x0];
	s1 =	srdreg.scid  }
0x2: {  	s0 =	stileid.u32;
	s2 =	rddreg [dreg:$0x1]  }
0x3: {  	s3 =	simm.s32 $0x0;
	s12 =	simm.s32 $0x2;
	s13 =	simm.s32 $0x80  }
0x4: {  	s14 =	simm.s32 $0x50;
	s15 =	simm.s32 $0x100;
	s16 =	simm.s32 $0x2900  }
0x5: {  	s17 =	simm.s32 $0x5100;
	s18 =	simm.s32 $0x1;
	s6 =	smul.u32 $0x4E20, s0  }
0x6: {  	s4 =	sand.u32 $0x1, s1;
	s1 =	rddreg [dreg:$0x2];
	s29 =	smul.u32 $0x4E200, s0  }
0x7: {  	s19 =	simm.s32 $0x0;
	[smem:$0x7FF] =	sst s3;
	s7 =	smul.u32 $0x2710, s4  }
0x8: {  	_ =	strace $0x80000047;
	s8 =	ssub.s32 $0x2, s4;
	s9 =	smul.u32 $0x27100, s4  }
0x9: {  	s4 =	sadd.s32 $0x19200, s5;
	s30 =	sadd.s32 s29, s5;
	s6 =	sadd.s32 s7, s6  }
0xa: {  	s31 =	sshrl.u32 s8, $0x1;
	s9 =	sadd.s32 s9, s30;
	s6 =	sshrl.u32 s6, $0x3  }
0xb: {  	s7 =	ssub.s32 s8, s31;
	s8 =	sadd.s32 $0x67600, s9;
	s11 =	sadd.s32 s6, s5  }
0xc: {  	s5 =	sadd.s32 $0x40400, s5;
	s6 =	smax.u32 s7, $0x1;
	s7 =	sadd.s32 $0x549600, s9  }
0xd: {  	s9 =	sadd.s32 $0xA2B600, s9;
	s10 =	sadd.s32 $0x5600, s11;
	s11 =	sadd.s32 $0xF400, s11  }
.LBB2_1:
0xe: {  	[tilespmem:s3], [sflag:$0x2] =	stream.linear.gather [hbm4b:s11+s3], $0x50, $0x38;
	[tilespmem:$0x7900] =	vst v63  }
0xf: {  	_ =	swait.ge [sflag:s12], $0x50  }
0x10: {  	[sflag:s12] =	ssyncset.done $0x0  }
0x11: {  	[sflag:s12] =	ssyncadd.s32 $0xFFFFFFB0  }
0x12: {  	[tilespmem:s13], [sflag:$0x2] =	stream.linear.gather [hbm4b:s10+s3], $0x50, $0x38;
	[tilespmem:$0x7900] =	vst v63  }
0x13: {  	_ =	swait.ge [sflag:s12], $0x50  }
0x14: {  	[sflag:s12] =	ssyncset.done $0x0  }
0x15: {  	[sflag:s12] =	ssyncadd.s32 $0xFFFFFFB0  }
0x16: {  	[tilespmem:s15], [sflag:$0x1] =	stream.indirect.gather [hbm4b:s2+s14], $0x80, s3, s14, $0xb8;
	[tilespmem:$0x7900] =	vst v63  }
0x17: {  	_ = 	snop  }
0x18: {  	[tilespmem:s16], [sflag:$0x1] =	stream.indirect.gather [hbm4b:s4+s14], $0x80, s13, s14, $0xb8;
	[tilespmem:$0x7900] =	vst v63  }
0x19: {  	_ = 	snop  }
0x1a: {  	[tilespmem:s17], [sflag:$0x1] =	stream.indirect.gather [hbm4b:s5+s14], $0x80, s13, s14, $0xb8;
	[tilespmem:$0x7900] =	vst v63  }
0x1b: {  	_ =	swait.ge [sflag:s18], $0x2800  }
0x1c: {  	[sflag:s18] =	ssyncset.done $0x0  }
0x1d: {  	[sflag:s18] =	ssyncadd.s32 $0xFFFFD800  }
0x1e: {  	_ =	swait.ge [sflag:s18], $0x2800  }
0x1f: {  	[sflag:s18] =	ssyncset.done $0x0  }
0x20: {  	[sflag:s18] =	ssyncadd.s32 $0xFFFFD800  }
0x21: {  	_ =	swait.ge [sflag:s18], $0x2800  }
0x22: {  	[sflag:s18] =	ssyncset.done $0x0  }
0x23: {  	s20 =	sadd.s32 $0x0, s8;
	[sflag:s18] =	ssyncadd.s32 $0xFFFFD800  }
0x24: {  	[hbm4b:s20+s3] =	stream.linear.scatter [tilespmem:s15], [sflag:$0x2], $0x2800, $0x38;
	[tilespmem:$0x7900] =	vst v63  }
0x25: {  	_ =	swait.ge [sflag:s12], $0x2800  }
0x26: {  	[sflag:s12] =	ssyncset.done $0x0  }
0x27: {  	s30 =	sadd.s32 $0x0, s7;
	[sflag:s12] =	ssyncadd.s32 $0xFFFFD800  }
0x28: {  	[hbm4b:s30+s3] =	stream.linear.scatter [tilespmem:s16], [sflag:$0x2], $0x2800, $0x38;
	[tilespmem:$0x7900] =	vst v63  }
0x29: {  	_ =	swait.ge [sflag:s12], $0x2800  }
0x2a: {  	[sflag:s12] =	ssyncset.done $0x0  }
0x2b: {  	s31 =	sadd.s32 $0x0, s9;
	[sflag:s12] =	ssyncadd.s32 $0xFFFFD800  }
0x2c: {  	[hbm4b:s31+s3] =	stream.linear.scatter [tilespmem:s17], [sflag:$0x2], $0x2800, $0x38;
	[tilespmem:$0x7900] =	vst v63  }
0x2d: {  	s21 =	smov.u32 s10;
	_ =	swait.ge [sflag:s12], $0x2800  }
0x2e: {  	s22 =	smov.u32 s11;
	s20 =	simm.s32 $0x500;
	[sflag:s12] =	ssyncset.done $0x0  }
.LBB2_2:
0x2f: {  	[sflag:s12] =	ssyncadd.s32 $0xFFFFD800  }
0x30: {  	s21 =	sadd.s32 $0xA, s21;
	s22 =	sadd.s32 $0xA, s22;
	s23 =	smov.u32 s20  }
0x31: {  	[tilespmem:s3], [sflag:$0x2] =	stream.linear.gather [hbm4b:s22+s3], $0x50, $0x38;
	[tilespmem:$0x7900] =	vst v63  }
0x32: {  	p0 =	sne.s32 s20, $0x26C00;
	s20 =	sadd.s32 $0x500, s20;
	_ =	swait.ge [sflag:s12], $0x50  }
0x33: {  	[sflag:s12] =	ssyncset.done $0x0  }
0x34: {  	[sflag:s12] =	ssyncadd.s32 $0xFFFFFFB0  }
0x35: {  	[tilespmem:s13], [sflag:$0x2] =	stream.linear.gather [hbm4b:s21+s3], $0x50, $0x38;
	[tilespmem:$0x7900] =	vst v63  }
0x36: {  	_ =	swait.ge [sflag:s12], $0x50  }
0x37: {  	[sflag:s12] =	ssyncset.done $0x0  }
0x38: {  	[sflag:s12] =	ssyncadd.s32 $0xFFFFFFB0  }
0x39: {  	[tilespmem:s15], [sflag:$0x1] =	stream.indirect.gather [hbm4b:s2+s14], $0x80, s3, s14, $0xb8;
	[tilespmem:$0x7900] =	vst v63  }
0x3a: {  	_ = 	snop  }
0x3b: {  	[tilespmem:s16], [sflag:$0x1] =	stream.indirect.gather [hbm4b:s4+s14], $0x80, s13, s14, $0xb8;
	[tilespmem:$0x7900] =	vst v63  }
0x3c: {  	_ = 	snop  }
0x3d: {  	[tilespmem:s17], [sflag:$0x1] =	stream.indirect.gather [hbm4b:s5+s14], $0x80, s13, s14, $0xb8;
	[tilespmem:$0x7900] =	vst v63  }
0x3e: {  	_ =	swait.ge [sflag:s18], $0x2800  }
0x3f: {  	[sflag:s18] =	ssyncset.done $0x0  }
0x40: {  	[sflag:s18] =	ssyncadd.s32 $0xFFFFD800  }
0x41: {  	_ =	swait.ge [sflag:s18], $0x2800  }
0x42: {  	[sflag:s18] =	ssyncset.done $0x0  }
0x43: {  	[sflag:s18] =	ssyncadd.s32 $0xFFFFD800  }
0x44: {  	_ =	swait.ge [sflag:s18], $0x2800  }
0x45: {  	[sflag:s18] =	ssyncset.done $0x0  }
0x46: {  	s24 =	sadd.s32 s23, s8;
	[sflag:s18] =	ssyncadd.s32 $0xFFFFD800  }
0x47: {  	[hbm4b:s24+s3] =	stream.linear.scatter [tilespmem:s15], [sflag:$0x2], $0x2800, $0x38;
	[tilespmem:$0x7900] =	vst v63  }
0x48: {  	_ =	swait.ge [sflag:s12], $0x2800  }
0x49: {  	[sflag:s12] =	ssyncset.done $0x0  }
0x4a: {  	s24 =	sadd.s32 s23, s7;
	[sflag:s12] =	ssyncadd.s32 $0xFFFFD800  }
0x4b: {  	[hbm4b:s24+s3] =	stream.linear.scatter [tilespmem:s16], [sflag:$0x2], $0x2800, $0x38;
	[tilespmem:$0x7900] =	vst v63  }
0x4c: {  	_ =	swait.ge [sflag:s12], $0x2800  }
.Ltmp0:
0x4d: {  	[sflag:s12] =	ssyncset.done $0x0;
	(pc) =	sbr.rel @p0 .LBB2_2-.Ltmp0, $4  }
0x4e: {  	s23 =	sadd.s32 s23, s9;
	[sflag:s12] =	ssyncadd.s32 $0xFFFFD800  }
0x4f: {  	[hbm4b:s23+s3] =	stream.linear.scatter [tilespmem:s17], [sflag:$0x2], $0x2800, $0x38;
	[tilespmem:$0x7900] =	vst v63  }
0x50: {  	_ =	swait.ge [sflag:s12], $0x2800  }
0x51: {  	[sflag:s12] =	ssyncset.done $0x0  }
0x52: {  	s19 =	sadd.s32 $0x1, s19  }
0x53: {  	p0 =	sne.s32 s19, s6  }
.Ltmp1:
0x54: {  	_ = 	snop;
	(pc) =	sbr.rel @p0 .LBB2_1-.Ltmp1, $2  }
0x55: {  	_ =	sdelay $0x2  }
0x56: {  	[sflag:s12] =	ssyncadd.s32 $0xFFFFD800  }
0x57: {  	_ =	sfence.sel $0x180000  }
0x58: {  	[bflag:$0x0] =	sbarrier.arrive $0xFFFF  }
0x59: {  	p0 =	sne.s32 s0, $0x0;
	_ =	strace $0x90000047  }
0x5a: {  	s0 =	sadd.s32 @!p0 $0x100000, s1;
	[bflag:$0x2] =	sbarrier.arrive $0xFFFF  }
0x5b: {  	[sflag:s0] =	ssyncadd.tile.s32 @!p0 $0x1;
	_ =	shalt  }
.Lfunc_end2:
_tile_overlayer_lowered:
.L_overlay_start_2:
0x5c: {  	(tag) =	ssettag $0x2  }
0x5d: {  	s0 =	rddreg [dreg:$0x0];
	s2 =	stileid.u32  }
0x5e: {  	s1 =	rddreg [dreg:$0x1];
	p0 =	sne.s32 s2, $0x0  }
0x5f: {  	s3 =	rddreg [dreg:$0x2];
	[bflag:$0x3] =	sbarrier.arrive $0xFFFF;
	s2 =	simm.s32 @!p0 $0x1C02  }
0x60: {  	[timem:s3], [sflag:s2] =	dma.local @!p0 [hbm:s0], s1  }
0x61: {  	s0 =	simm.s32 @!p0 $0x2  }
0x62: {  	_ =	swait.ge @!p0 [sflag:s0], s1  }
0x63: {  	s1 =	ssub.s32 @!p0 $0x0, s1;
	[sflag:s0] =	ssyncset.done @!p0 $0x0  }
0x64: {  	[sflag:s0] =	ssyncadd.s32 @!p0 s1  }
0x65: {  	[bflag:$0x3] =	sbarrier.arrive $0xFFFF  }
0x66: {  	_ =	shalt  }

</sc_bundles>
